<compile_context>
chip_gen: v7x
topology: tpu7x:2x2x1
jax: 0.10.2.dev20260603
libtpu: 0.0.44.dev20260713+nightly
codegen_flags: <defaults>
</compile_context>

<pallas_src>
import functools

import jax
import jax.numpy as jnp
from jax import lax
from jax.experimental import pallas as pl
from jax.experimental.pallas import tpu as pltpu
from jax.experimental.pallas import tpu_sc as plsc

Q, K, D, C, KNN = 4096, 16384, 128, 21, 5
CONC = 16.0
QT = 128
BIG = 2**30


NT = Q // QT


def _topk_body(e_ref, p_ref, vals_ref, idx_ref, pn_ref):
    @pl.when(pl.program_id(0) == 0)
    def _():
        p = p_ref[...]
        rp = 1.0 / (jnp.sqrt(jnp.sum(p * p, axis=1, keepdims=True)) + 1e-12)
        pn_ref[...] = p * rp

    e = e_ref[...]
    re_ = 1.0 / (jnp.sqrt(jnp.sum(e * e, axis=1, keepdims=True)) + 1e-12)
    en = e * (re_ * CONC)
    sim = lax.dot_general(en, pn_ref[...], (((1,), (1,)), ((), ())),
                          preferred_element_type=jnp.float32)
    H = K // 2
    iL = lax.broadcasted_iota(jnp.int32, (QT, H), 1)
    left, right = sim[:, :H], sim[:, H:]
    pmax = jnp.maximum(left, right)
    pmin = jnp.minimum(left, right)
    imax = jnp.where(left >= right, iL, iL + H)
    imin = (2 * iL + H) - imax
    for j in range(KNN):
        m = jnp.max(pmax, axis=1, keepdims=True)
        a = jnp.min(jnp.where(pmax == m, imax, BIG), axis=1, keepdims=True)
        vals_ref[j, :] = m[:, 0]
        idx_ref[j, :] = a[:, 0]
        if j < KNN - 1:
            sel = imax == a
            pmax = jnp.where(sel, pmin, pmax)
            imax = jnp.where(sel, imin, imax)
            pmin = jnp.where(sel, -jnp.inf, pmin)
    for j in range(KNN, 8):
        vals_ref[j, :] = jnp.zeros((QT,), jnp.float32)
        idx_ref[j, :] = jnp.zeros((QT,), jnp.int32)


_topk = pl.pallas_call(
    _topk_body,
    grid=(NT,),
    in_specs=[
        pl.BlockSpec((QT, D), lambda i: (i, 0)),
        pl.BlockSpec((K, D), lambda i: (0, 0)),
    ],
    out_specs=[
        pl.BlockSpec((8, QT), lambda i: (0, i)),
        pl.BlockSpec((8, QT), lambda i: (0, i)),
    ],
    out_shape=[
        jax.ShapeDtypeStruct((8, Q), jnp.float32),
        jax.ShapeDtypeStruct((8, Q), jnp.int32),
    ],
    scratch_shapes=[pltpu.VMEM((K, D), jnp.float32)],
)

NW = 32
QPW = Q // NW
SCORES = QPW * C


@functools.cache
def _make_vote():
    @functools.partial(
        pl.kernel,
        mesh=plsc.VectorSubcoreMesh(core_axis_name="c", subcore_axis_name="s"),
        compiler_params=pltpu.CompilerParams(needs_layout_passes=False),
        out_type=jax.ShapeDtypeStruct((Q * C,), jnp.float32),
        scratch_types=[
            pltpu.VMEM((K,), jnp.int32),
            pltpu.VMEM((8, QPW), jnp.float32),
            pltpu.VMEM((8, QPW), jnp.int32),
            pltpu.VMEM((SCORES,), jnp.float32),
        ],
    )
    def _vote(vals_hbm, idx_hbm, labels_hbm, out_hbm,
              labels_v, vals_v, idx_v, scores_v):
        wid = lax.axis_index("s") * 2 + lax.axis_index("c")
        base = wid * QPW
        pltpu.sync_copy(labels_hbm, labels_v)
        pltpu.sync_copy(vals_hbm.at[:, pl.ds(base, QPW)], vals_v)
        pltpu.sync_copy(idx_hbm.at[:, pl.ds(base, QPW)], idx_v)
        zeros = jnp.zeros((16,), jnp.float32)
        for g in range(SCORES // 16):
            scores_v[pl.ds(g * 16, 16)] = zeros
        for j in range(KNN):
            for g in range(QPW // 16):
                protos = idx_v[j, pl.ds(g * 16, 16)]
                v16 = vals_v[j, pl.ds(g * 16, 16)]
                labs = plsc.load_gather(labels_v, [protos])
                qloc = jnp.full((16,), g * 16, jnp.int32) + lax.iota(jnp.int32, 16)
                plsc.addupdate_scatter(scores_v, [qloc * C + labs], v16)
        pltpu.sync_copy(scores_v, out_hbm.at[pl.ds(base * C, SCORES)])

    return _vote


def kernel(embeddings, prototypes, prototype_labels):
    vals8, idx8 = _topk(embeddings, prototypes)
    flat = _make_vote()(vals8, idx8, prototype_labels)
    return flat.reshape(Q, C)

# --- scband reference (transcript-rebuilt; emitter-appended) ---
"""Pipeline reference for scband-hsg-18253611008379 (READ-ONLY COPY).

The authoritative reference and input builder live on the scoring server;
editing this copy changes nothing except your own understanding.
"""

import jax, jax.numpy as jnp
import numpy as np

NUM_CLASSES = 21
KNN = 5
CONCENTRATION = 16.0


def setup_inputs(seed: int = 0) -> dict:
    key = jax.random.key(seed)
    k1, k2, k3 = jax.random.split(key, 3)
    embeddings = jax.random.normal(k1, (4096, 128), dtype=jnp.float32)
    prototypes = jax.random.normal(k2, (16384, 128), dtype=jnp.float32)
    prototype_labels = jax.random.randint(k3, (16384,), 0, NUM_CLASSES).astype(jnp.int32)
    return {"embeddings": embeddings, "prototypes": prototypes, "prototype_labels": prototype_labels}


def _normalize(x):
    return x / (jnp.linalg.norm(x, axis=-1, keepdims=True) + 1e-12)


def reference(embeddings, prototypes, prototype_labels):
    # Hsg.predictions: semantic segmentation by nearest-neighbor retrieval
    # against the prototype memory bank (segsort-style, vMF with concentration).
    e = _normalize(embeddings)            # [Q, d]
    p = _normalize(prototypes)            # [K, d]
    sim = jnp.dot(e, p.T) * CONCENTRATION # [Q, K] cosine similarity logits
    vals, idx = jax.lax.top_k(sim, KNN)   # [Q, KNN] retrieve k nearest prototypes
    nn_labels = jnp.take(prototype_labels, idx)  # [Q, KNN] semantic labels of neighbors
    q = e.shape[0]
    rows = jnp.broadcast_to(jnp.arange(q)[:, None], (q, KNN))
    # similarity-weighted class voting over retrieved neighbors (scatter-add)
    class_scores = jnp.zeros((q, NUM_CLASSES), dtype=vals.dtype).at[rows, nn_labels].add(vals)
    return class_scores

if __name__ == "__main__":
    import jax
    _d = setup_inputs()
    print(jax.jit(kernel)(*tuple(_d.values())))

</pallas_src>

<mosaic_0001>
#map = affine_map<(d0, d1) -> (0, 0)>
#map1 = affine_map<(d0, d1) -> (0)>
module attributes {stable_mosaic.version = 14 : i64} {
  func.func @_vote(%arg0: i32, %arg1: i32, %arg2: memref<8x4096xf32, #tpu.memory_space<hbm>>, %arg3: memref<8x4096xi32, #tpu.memory_space<hbm>>, %arg4: memref<16384xi32, #tpu.memory_space<hbm>>, %arg5: memref<86016xf32, #tpu.memory_space<hbm>>, %arg6: memref<16384xi32, #tpu.memory_space<vmem>>, %arg7: memref<8x128xf32, #tpu.memory_space<vmem>>, %arg8: memref<8x128xi32, #tpu.memory_space<vmem>>, %arg9: memref<2688xf32, #tpu.memory_space<vmem>>) attributes {dimension_semantics = [#tpu.dimension_semantics<core_parallel>, #tpu.dimension_semantics<subcore_parallel>], iteration_bounds = array<i64: 2, 16>, scalar_prefetch = 0 : i64, scratch_operands = 4 : i64, tpu.core_type = #tpu.core_type<sc_vector_subcore>, window_params = [{transform_indices = #map}, {transform_indices = #map}, {transform_indices = #map1}, {transform_indices = #map1}]} {
    %mul3A = arith.constant 2 : i32
    %mul3A_0 = arith.muli %arg1, %mul3A : i32
    %add3A = arith.addi %mul3A_0, %arg0 : i32
    %mul3A_1 = arith.constant 128 : i32
    %mul3A_2 = arith.muli %add3A, %mul3A_1 : i32
    "tpu.region"() ({
      %run_scoped3A = tpu.sem_alloc : memref<!tpu.dma_semaphore, #tpu.memory_space<semaphore_mem>>
      tpu.enqueue_dma source(%arg4 : memref<16384xi32, #tpu.memory_space<hbm>>) target(%arg6 : memref<16384xi32, #tpu.memory_space<vmem>>) target_semaphore(%run_scoped3A : memref<!tpu.dma_semaphore, #tpu.memory_space<semaphore_mem>>)
      tpu.wait_dma2 semaphore(%run_scoped3A : memref<!tpu.dma_semaphore, #tpu.memory_space<semaphore_mem>>) src(%arg4 : memref<16384xi32, #tpu.memory_space<hbm>>) dst(%arg6 : memref<16384xi32, #tpu.memory_space<vmem>>)
      tpu.yield
    }) : () -> ()
    "tpu.region"() ({
      %run_scoped3A = tpu.sem_alloc : memref<!tpu.dma_semaphore, #tpu.memory_space<semaphore_mem>>
      %dma_start3A = arith.constant 0 : i32
      %dma_start3A_1018 = tpu.memref_slice %arg2[%dma_start3A, %mul3A_2] : memref<8x4096xf32, #tpu.memory_space<hbm>> -> memref<8x128xf32, #tpu.memory_space<hbm>>
      %dma_start3A_1019 = arith.constant 0 : i32
      %dma_start3A_1020 = tpu.memref_slice %arg2[%dma_start3A_1019, %mul3A_2] : memref<8x4096xf32, #tpu.memory_space<hbm>> -> memref<8x128xf32, #tpu.memory_space<hbm>>
      tpu.enqueue_dma source(%dma_start3A_1020 : memref<8x128xf32, #tpu.memory_space<hbm>>) target(%arg7 : memref<8x128xf32, #tpu.memory_space<vmem>>) target_semaphore(%run_scoped3A : memref<!tpu.dma_semaphore, #tpu.memory_space<semaphore_mem>>)
      %dma_wait3A = arith.constant 0 : i32
      %dma_wait3A_1021 = tpu.memref_slice %arg2[%dma_wait3A, %mul3A_2] : memref<8x4096xf32, #tpu.memory_space<hbm>> -> memref<8x128xf32, #tpu.memory_space<hbm>>
      %dma_wait3A_1022 = arith.constant 0 : i32
      %dma_wait3A_1023 = tpu.memref_slice %arg2[%dma_wait3A_1022, %mul3A_2] : memref<8x4096xf32, #tpu.memory_space<hbm>> -> memref<8x128xf32, #tpu.memory_space<hbm>>
      tpu.wait_dma2 semaphore(%run_scoped3A : memref<!tpu.dma_semaphore, #tpu.memory_space<semaphore_mem>>) src(%dma_wait3A_1023 : memref<8x128xf32, #tpu.memory_space<hbm>>) dst(%arg7 : memref<8x128xf32, #tpu.memory_space<vmem>>)
      tpu.yield
    }) : () -> ()
    "tpu.region"() ({
      %run_scoped3A = tpu.sem_alloc : memref<!tpu.dma_semaphore, #tpu.memory_space<semaphore_mem>>
      %dma_start3A = arith.constant 0 : i32
      %dma_start3A_1018 = tpu.memref_slice %arg3[%dma_start3A, %mul3A_2] : memref<8x4096xi32, #tpu.memory_space<hbm>> -> memref<8x128xi32, #tpu.memory_space<hbm>>
      %dma_start3A_1019 = arith.constant 0 : i32
      %dma_start3A_1020 = tpu.memref_slice %arg3[%dma_start3A_1019, %mul3A_2] : memref<8x4096xi32, #tpu.memory_space<hbm>> -> memref<8x128xi32, #tpu.memory_space<hbm>>
      tpu.enqueue_dma source(%dma_start3A_1020 : memref<8x128xi32, #tpu.memory_space<hbm>>) target(%arg8 : memref<8x128xi32, #tpu.memory_space<vmem>>) target_semaphore(%run_scoped3A : memref<!tpu.dma_semaphore, #tpu.memory_space<semaphore_mem>>)
      %dma_wait3A = arith.constant 0 : i32
      %dma_wait3A_1021 = tpu.memref_slice %arg3[%dma_wait3A, %mul3A_2] : memref<8x4096xi32, #tpu.memory_space<hbm>> -> memref<8x128xi32, #tpu.memory_space<hbm>>
      %dma_wait3A_1022 = arith.constant 0 : i32
      %dma_wait3A_1023 = tpu.memref_slice %arg3[%dma_wait3A_1022, %mul3A_2] : memref<8x4096xi32, #tpu.memory_space<hbm>> -> memref<8x128xi32, #tpu.memory_space<hbm>>
      tpu.wait_dma2 semaphore(%run_scoped3A : memref<!tpu.dma_semaphore, #tpu.memory_space<semaphore_mem>>) src(%dma_wait3A_1023 : memref<8x128xi32, #tpu.memory_space<hbm>>) dst(%arg8 : memref<8x128xi32, #tpu.memory_space<vmem>>)
      tpu.yield
    }) : () -> ()
    %broadcast_in_dim3A = arith.constant 0.000000e+00 : f32
    %broadcast_in_dim3A_3 = vector.broadcast %broadcast_in_dim3A : f32 to vector<16xf32>
    %swap3A = arith.constant 0 : index
    %swap3A_4 = tpu.vector_load %arg9[%swap3A] {strides = array<i32>} : memref<2688xf32, #tpu.memory_space<vmem>>, vector<16xf32>,
    tpu.vector_store %arg9[%swap3A], %broadcast_in_dim3A_3 {strides = array<i32>} : memref<2688xf32, #tpu.memory_space<vmem>>, vector<16xf32>,
    %swap3A_5 = arith.constant 16 : index
    %swap3A_6 = tpu.vector_load %arg9[%swap3A_5] {strides = array<i32>} : memref<2688xf32, #tpu.memory_space<vmem>>, vector<16xf32>,
    tpu.vector_store %arg9[%swap3A_5], %broadcast_in_dim3A_3 {strides = array<i32>} : memref<2688xf32, #tpu.memory_space<vmem>>, vector<16xf32>,
    %swap3A_7 = arith.constant 32 : index
    %swap3A_8 = tpu.vector_load %arg9[%swap3A_7] {strides = array<i32>} : memref<2688xf32, #tpu.memory_space<vmem>>, vector<16xf32>,
    tpu.vector_store %arg9[%swap3A_7], %broadcast_in_dim3A_3 {strides = array<i32>} : memref<2688xf32, #tpu.memory_space<vmem>>, vector<16xf32>,
    %swap3A_9 = arith.constant 48 : index
    %swap3A_10 = tpu.vector_load %arg9[%swap3A_9] {strides = array<i32>} : memref<2688xf32, #tpu.memory_space<vmem>>, vector<16xf32>,
    tpu.vector_store %arg9[%swap3A_9], %broadcast_in_dim3A_3 {strides = array<i32>} : memref<2688xf32, #tpu.memory_space<vmem>>, vector<16xf32>,
    %swap3A_11 = arith.constant 64 : index
    %swap3A_12 = tpu.vector_load %arg9[%swap3A_11] {strides = array<i32>} : memref<2688xf32, #tpu.memory_space<vmem>>, vector<16xf32>,
    tpu.vector_store %arg9[%swap3A_11], %broadcast_in_dim3A_3 {strides = array<i32>} : memref<2688xf32, #tpu.memory_space<vmem>>, vector<16xf32>,
    %swap3A_13 = arith.constant 80 : index
    %swap3A_14 = tpu.vector_load %arg9[%swap3A_13] {strides = array<i32>} : memref<2688xf32, #tpu.memory_space<vmem>>, vector<16xf32>,
    tpu.vector_store %arg9[%swap3A_13], %broadcast_in_dim3A_3 {strides = array<i32>} : memref<2688xf32, #tpu.memory_space<vmem>>, vector<16xf32>,
    %swap3A_15 = arith.constant 96 : index
    %swap3A_16 = tpu.vector_load %arg9[%swap3A_15] {strides = array<i32>} : memref<2688xf32, #tpu.memory_space<vmem>>, vector<16xf32>,
    tpu.vector_store %arg9[%swap3A_15], %broadcast_in_dim3A_3 {strides = array<i32>} : memref<2688xf32, #tpu.memory_space<vmem>>, vector<16xf32>,
    %swap3A_17 = arith.constant 112 : index
    %swap3A_18 = tpu.vector_load %arg9[%swap3A_17] {strides = array<i32>} : memref<2688xf32, #tpu.memory_space<vmem>>, vector<16xf32>,
    tpu.vector_store %arg9[%swap3A_17], %broadcast_in_dim3A_3 {strides = array<i32>} : memref<2688xf32, #tpu.memory_space<vmem>>, vector<16xf32>,
    %swap3A_19 = arith.constant 128 : index
    %swap3A_20 = tpu.vector_load %arg9[%swap3A_19] {strides = array<i32>} : memref<2688xf32, #tpu.memory_space<vmem>>, vector<16xf32>,
    tpu.vector_store %arg9[%swap3A_19], %broadcast_in_dim3A_3 {strides = array<i32>} : memref<2688xf32, #tpu.memory_space<vmem>>, vector<16xf32>,
    %swap3A_21 = arith.constant 144 : index
    %swap3A_22 = tpu.vector_load %arg9[%swap3A_21] {strides = array<i32>} : memref<2688xf32, #tpu.memory_space<vmem>>, vector<16xf32>,
    tpu.vector_store %arg9[%swap3A_21], %broadcast_in_dim3A_3 {strides = array<i32>} : memref<2688xf32, #tpu.memory_space<vmem>>, vector<16xf32>,
    %swap3A_23 = arith.constant 160 : index
    %swap3A_24 = tpu.vector_load %arg9[%swap3A_23] {strides = array<i32>} : memref<2688xf32, #tpu.memory_space<vmem>>, vector<16xf32>,
    tpu.vector_store %arg9[%swap3A_23], %broadcast_in_dim3A_3 {strides = array<i32>} : memref<2688xf32, #tpu.memory_space<vmem>>, vector<16xf32>,
    %swap3A_25 = arith.constant 176 : index
    %swap3A_26 = tpu.vector_load %arg9[%swap3A_25] {strides = array<i32>} : memref<2688xf32, #tpu.memory_space<vmem>>, vector<16xf32>,
    tpu.vector_store %arg9[%swap3A_25], %broadcast_in_dim3A_3 {strides = array<i32>} : memref<2688xf32, #tpu.memory_space<vmem>>, vector<16xf32>,
    %swap3A_27 = arith.constant 192 : index
    %swap3A_28 = tpu.vector_load %arg9[%swap3A_27] {strides = array<i32>} : memref<2688xf32, #tpu.memory_space<vmem>>, vector<16xf32>,
    tpu.vector_store %arg9[%swap3A_27], %broadcast_in_dim3A_3 {strides = array<i32>} : memref<2688xf32, #tpu.memory_space<vmem>>, vector<16xf32>,
    %swap3A_29 = arith.constant 208 : index
    %swap3A_30 = tpu.vector_load %arg9[%swap3A_29] {strides = array<i32>} : memref<2688xf32, #tpu.memory_space<vmem>>, vector<16xf32>,
    tpu.vector_store %arg9[%swap3A_29], %broadcast_in_dim3A_3 {strides = array<i32>} : memref<2688xf32, #tpu.memory_space<vmem>>, vector<16xf32>,
    %swap3A_31 = arith.constant 224 : index
    %swap3A_32 = tpu.vector_load %arg9[%swap3A_31] {strides = array<i32>} : memref<2688xf32, #tpu.memory_space<vmem>>, vector<16xf32>,
    tpu.vector_store %arg9[%swap3A_31], %broadcast_in_dim3A_3 {strides = array<i32>} : memref<2688xf32, #tpu.memory_space<vmem>>, vector<16xf32>,
    %swap3A_33 = arith.constant 240 : index
    %swap3A_34 = tpu.vector_load %arg9[%swap3A_33] {strides = array<i32>} : memref<2688xf32, #tpu.memory_space<vmem>>, vector<16xf32>,
    tpu.vector_store %arg9[%swap3A_33], %broadcast_in_dim3A_3 {strides = array<i32>} : memref<2688xf32, #tpu.memory_space<vmem>>, vector<16xf32>,
    %swap3A_35 = arith.constant 256 : index
    %swap3A_36 = tpu.vector_load %arg9[%swap3A_35] {strides = array<i32>} : memref<2688xf32, #tpu.memory_space<vmem>>, vector<16xf32>,
    tpu.vector_store %arg9[%swap3A_35], %broadcast_in_dim3A_3 {strides = array<i32>} : memref<2688xf32, #tpu.memory_space<vmem>>, vector<16xf32>,
    %swap3A_37 = arith.constant 272 : index
    %swap3A_38 = tpu.vector_load %arg9[%swap3A_37] {strides = array<i32>} : memref<2688xf32, #tpu.memory_space<vmem>>, vector<16xf32>,
    tpu.vector_store %arg9[%swap3A_37], %broadcast_in_dim3A_3 {strides = array<i32>} : memref<2688xf32, #tpu.memory_space<vmem>>, vector<16xf32>,
    %swap3A_39 = arith.constant 288 : index
    %swap3A_40 = tpu.vector_load %arg9[%swap3A_39] {strides = array<i32>} : memref<2688xf32, #tpu.memory_space<vmem>>, vector<16xf32>,
    tpu.vector_store %arg9[%swap3A_39], %broadcast_in_dim3A_3 {strides = array<i32>} : memref<2688xf32, #tpu.memory_space<vmem>>, vector<16xf32>,
    %swap3A_41 = arith.constant 304 : index
    %swap3A_42 = tpu.vector_load %arg9[%swap3A_41] {strides = array<i32>} : memref<2688xf32, #tpu.memory_space<vmem>>, vector<16xf32>,
    tpu.vector_store %arg9[%swap3A_41], %broadcast_in_dim3A_3 {strides = array<i32>} : memref<2688xf32, #tpu.memory_space<vmem>>, vector<16xf32>,
    %swap3A_43 = arith.constant 320 : index
    %swap3A_44 = tpu.vector_load %arg9[%swap3A_43] {strides = array<i32>} : memref<2688xf32, #tpu.memory_space<vmem>>, vector<16xf32>,
    tpu.vector_store %arg9[%swap3A_43], %broadcast_in_dim3A_3 {strides = array<i32>} : memref<2688xf32, #tpu.memory_space<vmem>>, vector<16xf32>,
    %swap3A_45 = arith.constant 336 : index
    %swap3A_46 = tpu.vector_load %arg9[%swap3A_45] {strides = array<i32>} : memref<2688xf32, #tpu.memory_space<vmem>>, vector<16xf32>,
    tpu.vector_store %arg9[%swap3A_45], %broadcast_in_dim3A_3 {strides = array<i32>} : memref<2688xf32, #tpu.memory_space<vmem>>, vector<16xf32>,
    %swap3A_47 = arith.constant 352 : index
    %swap3A_48 = tpu.vector_load %arg9[%swap3A_47] {strides = array<i32>} : memref<2688xf32, #tpu.memory_space<vmem>>, vector<16xf32>,
    tpu.vector_store %arg9[%swap3A_47], %broadcast_in_dim3A_3 {strides = array<i32>} : memref<2688xf32, #tpu.memory_space<vmem>>, vector<16xf32>,
    %swap3A_49 = arith.constant 368 : index
    %swap3A_50 = tpu.vector_load %arg9[%swap3A_49] {strides = array<i32>} : memref<2688xf32, #tpu.memory_space<vmem>>, vector<16xf32>,
    tpu.vector_store %arg9[%swap3A_49], %broadcast_in_dim3A_3 {strides = array<i32>} : memref<2688xf32, #tpu.memory_space<vmem>>, vector<16xf32>,
    %swap3A_51 = arith.constant 384 : index
    %swap3A_52 = tpu.vector_load %arg9[%swap3A_51] {strides = array<i32>} : memref<2688xf32, #tpu.memory_space<vmem>>, vector<16xf32>,
    tpu.vector_store %arg9[%swap3A_51], %broadcast_in_dim3A_3 {strides = array<i32>} : memref<2688xf32, #tpu.memory_space<vmem>>, vector<16xf32>,
    %swap3A_53 = arith.constant 400 : index
    %swap3A_54 = tpu.vector_load %arg9[%swap3A_53] {strides = array<i32>} : memref<2688xf32, #tpu.memory_space<vmem>>, vector<16xf32>,
    tpu.vector_store %arg9[%swap3A_53], %broadcast_in_dim3A_3 {strides = array<i32>} : memref<2688xf32, #tpu.memory_space<vmem>>, vector<16xf32>,
    %swap3A_55 = arith.constant 416 : index
    %swap3A_56 = tpu.vector_load %arg9[%swap3A_55] {strides = array<i32>} : memref<2688xf32, #tpu.memory_space<vmem>>, vector<16xf32>,
    tpu.vector_store %arg9[%swap3A_55], %broadcast_in_dim3A_3 {strides = array<i32>} : memref<2688xf32, #tpu.memory_space<vmem>>, vector<16xf32>,
    %swap3A_57 = arith.constant 432 : index
    %swap3A_58 = tpu.vector_load %arg9[%swap3A_57] {strides = array<i32>} : memref<2688xf32, #tpu.memory_space<vmem>>, vector<16xf32>,
    tpu.vector_store %arg9[%swap3A_57], %broadcast_in_dim3A_3 {strides = array<i32>} : memref<2688xf32, #tpu.memory_space<vmem>>, vector<16xf32>,
    %swap3A_59 = arith.constant 448 : index
    %swap3A_60 = tpu.vector_load %arg9[%swap3A_59] {strides = array<i32>} : memref<2688xf32, #tpu.memory_space<vmem>>, vector<16xf32>,
    tpu.vector_store %arg9[%swap3A_59], %broadcast_in_dim3A_3 {strides = array<i32>} : memref<2688xf32, #tpu.memory_space<vmem>>, vector<16xf32>,
    %swap3A_61 = arith.constant 464 : index
    %swap3A_62 = tpu.vector_load %arg9[%swap3A_61] {strides = array<i32>} : memref<2688xf32, #tpu.memory_space<vmem>>, vector<16xf32>,
    tpu.vector_store %arg9[%swap3A_61], %broadcast_in_dim3A_3 {strides = array<i32>} : memref<2688xf32, #tpu.memory_space<vmem>>, vector<16xf32>,
    %swap3A_63 = arith.constant 480 : index
    %swap3A_64 = tpu.vector_load %arg9[%swap3A_63] {strides = array<i32>} : memref<2688xf32, #tpu.memory_space<vmem>>, vector<16xf32>,
    tpu.vector_store %arg9[%swap3A_63], %broadcast_in_dim3A_3 {strides = array<i32>} : memref<2688xf32, #tpu.memory_space<vmem>>, vector<16xf32>,
    %swap3A_65 = arith.constant 496 : index
    %swap3A_66 = tpu.vector_load %arg9[%swap3A_65] {strides = array<i32>} : memref<2688xf32, #tpu.memory_space<vmem>>, vector<16xf32>,
    tpu.vector_store %arg9[%swap3A_65], %broadcast_in_dim3A_3 {strides = array<i32>} : memref<2688xf32, #tpu.memory_space<vmem>>, vector<16xf32>,
    %swap3A_67 = arith.constant 512 : index
    %swap3A_68 = tpu.vector_load %arg9[%swap3A_67] {strides = array<i32>} : memref<2688xf32, #tpu.memory_space<vmem>>, vector<16xf32>,
    tpu.vector_store %arg9[%swap3A_67], %broadcast_in_dim3A_3 {strides = array<i32>} : memref<2688xf32, #tpu.memory_space<vmem>>, vector<16xf32>,
    %swap3A_69 = arith.constant 528 : index
    %swap3A_70 = tpu.vector_load %arg9[%swap3A_69] {strides = array<i32>} : memref<2688xf32, #tpu.memory_space<vmem>>, vector<16xf32>,
    tpu.vector_store %arg9[%swap3A_69], %broadcast_in_dim3A_3 {strides = array<i32>} : memref<2688xf32, #tpu.memory_space<vmem>>, vector<16xf32>,
    %swap3A_71 = arith.constant 544 : index
    %swap3A_72 = tpu.vector_load %arg9[%swap3A_71] {strides = array<i32>} : memref<2688xf32, #tpu.memory_space<vmem>>, vector<16xf32>,
    tpu.vector_store %arg9[%swap3A_71], %broadcast_in_dim3A_3 {strides = array<i32>} : memref<2688xf32, #tpu.memory_space<vmem>>, vector<16xf32>,
    %swap3A_73 = arith.constant 560 : index
    %swap3A_74 = tpu.vector_load %arg9[%swap3A_73] {strides = array<i32>} : memref<2688xf32, #tpu.memory_space<vmem>>, vector<16xf32>,
    tpu.vector_store %arg9[%swap3A_73], %broadcast_in_dim3A_3 {strides = array<i32>} : memref<2688xf32, #tpu.memory_space<vmem>>, vector<16xf32>,
    %swap3A_75 = arith.constant 576 : index
    %swap3A_76 = tpu.vector_load %arg9[%swap3A_75] {strides = array<i32>} : memref<2688xf32, #tpu.memory_space<vmem>>, vector<16xf32>,
    tpu.vector_store %arg9[%swap3A_75], %broadcast_in_dim3A_3 {strides = array<i32>} : memref<2688xf32, #tpu.memory_space<vmem>>, vector<16xf32>,
    %swap3A_77 = arith.constant 592 : index
    %swap3A_78 = tpu.vector_load %arg9[%swap3A_77] {strides = array<i32>} : memref<2688xf32, #tpu.memory_space<vmem>>, vector<16xf32>,
    tpu.vector_store %arg9[%swap3A_77], %broadcast_in_dim3A_3 {strides = array<i32>} : memref<2688xf32, #tpu.memory_space<vmem>>, vector<16xf32>,
    %swap3A_79 = arith.constant 608 : index
    %swap3A_80 = tpu.vector_load %arg9[%swap3A_79] {strides = array<i32>} : memref<2688xf32, #tpu.memory_space<vmem>>, vector<16xf32>,
    tpu.vector_store %arg9[%swap3A_79], %broadcast_in_dim3A_3 {strides = array<i32>} : memref<2688xf32, #tpu.memory_space<vmem>>, vector<16xf32>,
    %swap3A_81 = arith.constant 624 : index
    %swap3A_82 = tpu.vector_load %arg9[%swap3A_81] {strides = array<i32>} : memref<2688xf32, #tpu.memory_space<vmem>>, vector<16xf32>,
    tpu.vector_store %arg9[%swap3A_81], %broadcast_in_dim3A_3 {strides = array<i32>} : memref<2688xf32, #tpu.memory_space<vmem>>, vector<16xf32>,
    %swap3A_83 = arith.constant 640 : index
    %swap3A_84 = tpu.vector_load %arg9[%swap3A_83] {strides = array<i32>} : memref<2688xf32, #tpu.memory_space<vmem>>, vector<16xf32>,
    tpu.vector_store %arg9[%swap3A_83], %broadcast_in_dim3A_3 {strides = array<i32>} : memref<2688xf32, #tpu.memory_space<vmem>>, vector<16xf32>,
    %swap3A_85 = arith.constant 656 : index
    %swap3A_86 = tpu.vector_load %arg9[%swap3A_85] {strides = array<i32>} : memref<2688xf32, #tpu.memory_space<vmem>>, vector<16xf32>,
    tpu.vector_store %arg9[%swap3A_85], %broadcast_in_dim3A_3 {strides = array<i32>} : memref<2688xf32, #tpu.memory_space<vmem>>, vector<16xf32>,
    %swap3A_87 = arith.constant 672 : index
    %swap3A_88 = tpu.vector_load %arg9[%swap3A_87] {strides = array<i32>} : memref<2688xf32, #tpu.memory_space<vmem>>, vector<16xf32>,
    tpu.vector_store %arg9[%swap3A_87], %broadcast_in_dim3A_3 {strides = array<i32>} : memref<2688xf32, #tpu.memory_space<vmem>>, vector<16xf32>,
    %swap3A_89 = arith.constant 688 : index
    %swap3A_90 = tpu.vector_load %arg9[%swap3A_89] {strides = array<i32>} : memref<2688xf32, #tpu.memory_space<vmem>>, vector<16xf32>,
    tpu.vector_store %arg9[%swap3A_89], %broadcast_in_dim3A_3 {strides = array<i32>} : memref<2688xf32, #tpu.memory_space<vmem>>, vector<16xf32>,
    %swap3A_91 = arith.constant 704 : index
    %swap3A_92 = tpu.vector_load %arg9[%swap3A_91] {strides = array<i32>} : memref<2688xf32, #tpu.memory_space<vmem>>, vector<16xf32>,
    tpu.vector_store %arg9[%swap3A_91], %broadcast_in_dim3A_3 {strides = array<i32>} : memref<2688xf32, #tpu.memory_space<vmem>>, vector<16xf32>,
    %swap3A_93 = arith.constant 720 : index
    %swap3A_94 = tpu.vector_load %arg9[%swap3A_93] {strides = array<i32>} : memref<2688xf32, #tpu.memory_space<vmem>>, vector<16xf32>,
    tpu.vector_store %arg9[%swap3A_93], %broadcast_in_dim3A_3 {strides = array<i32>} : memref<2688xf32, #tpu.memory_space<vmem>>, vector<16xf32>,
    %swap3A_95 = arith.constant 736 : index
    %swap3A_96 = tpu.vector_load %arg9[%swap3A_95] {strides = array<i32>} : memref<2688xf32, #tpu.memory_space<vmem>>, vector<16xf32>,
    tpu.vector_store %arg9[%swap3A_95], %broadcast_in_dim3A_3 {strides = array<i32>} : memref<2688xf32, #tpu.memory_space<vmem>>, vector<16xf32>,
    %swap3A_97 = arith.constant 752 : index
    %swap3A_98 = tpu.vector_load %arg9[%swap3A_97] {strides = array<i32>} : memref<2688xf32, #tpu.memory_space<vmem>>, vector<16xf32>,
    tpu.vector_store %arg9[%swap3A_97], %broadcast_in_dim3A_3 {strides = array<i32>} : memref<2688xf32, #tpu.memory_space<vmem>>, vector<16xf32>,
    %swap3A_99 = arith.constant 768 : index
    %swap3A_100 = tpu.vector_load %arg9[%swap3A_99] {strides = array<i32>} : memref<2688xf32, #tpu.memory_space<vmem>>, vector<16xf32>,
    tpu.vector_store %arg9[%swap3A_99], %broadcast_in_dim3A_3 {strides = array<i32>} : memref<2688xf32, #tpu.memory_space<vmem>>, vector<16xf32>,
    %swap3A_101 = arith.constant 784 : index
    %swap3A_102 = tpu.vector_load %arg9[%swap3A_101] {strides = array<i32>} : memref<2688xf32, #tpu.memory_space<vmem>>, vector<16xf32>,
    tpu.vector_store %arg9[%swap3A_101], %broadcast_in_dim3A_3 {strides = array<i32>} : memref<2688xf32, #tpu.memory_space<vmem>>, vector<16xf32>,
    %swap3A_103 = arith.constant 800 : index
    %swap3A_104 = tpu.vector_load %arg9[%swap3A_103] {strides = array<i32>} : memref<2688xf32, #tpu.memory_space<vmem>>, vector<16xf32>,
    tpu.vector_store %arg9[%swap3A_103], %broadcast_in_dim3A_3 {strides = array<i32>} : memref<2688xf32, #tpu.memory_space<vmem>>, vector<16xf32>,
    %swap3A_105 = arith.constant 816 : index
    %swap3A_106 = tpu.vector_load %arg9[%swap3A_105] {strides = array<i32>} : memref<2688xf32, #tpu.memory_space<vmem>>, vector<16xf32>,
    tpu.vector_store %arg9[%swap3A_105], %broadcast_in_dim3A_3 {strides = array<i32>} : memref<2688xf32, #tpu.memory_space<vmem>>, vector<16xf32>,
    %swap3A_107 = arith.constant 832 : index
    %swap3A_108 = tpu.vector_load %arg9[%swap3A_107] {strides = array<i32>} : memref<2688xf32, #tpu.memory_space<vmem>>, vector<16xf32>,
    tpu.vector_store %arg9[%swap3A_107], %broadcast_in_dim3A_3 {strides = array<i32>} : memref<2688xf32, #tpu.memory_space<vmem>>, vector<16xf32>,
    %swap3A_109 = arith.constant 848 : index
    %swap3A_110 = tpu.vector_load %arg9[%swap3A_109] {strides = array<i32>} : memref<2688xf32, #tpu.memory_space<vmem>>, vector<16xf32>,
    tpu.vector_store %arg9[%swap3A_109], %broadcast_in_dim3A_3 {strides = array<i32>} : memref<2688xf32, #tpu.memory_space<vmem>>, vector<16xf32>,
    %swap3A_111 = arith.constant 864 : index
    %swap3A_112 = tpu.vector_load %arg9[%swap3A_111] {strides = array<i32>} : memref<2688xf32, #tpu.memory_space<vmem>>, vector<16xf32>,
    tpu.vector_store %arg9[%swap3A_111], %broadcast_in_dim3A_3 {strides = array<i32>} : memref<2688xf32, #tpu.memory_space<vmem>>, vector<16xf32>,
    %swap3A_113 = arith.constant 880 : index
    %swap3A_114 = tpu.vector_load %arg9[%swap3A_113] {strides = array<i32>} : memref<2688xf32, #tpu.memory_space<vmem>>, vector<16xf32>,
    tpu.vector_store %arg9[%swap3A_113], %broadcast_in_dim3A_3 {strides = array<i32>} : memref<2688xf32, #tpu.memory_space<vmem>>, vector<16xf32>,
    %swap3A_115 = arith.constant 896 : index
    %swap3A_116 = tpu.vector_load %arg9[%swap3A_115] {strides = array<i32>} : memref<2688xf32, #tpu.memory_space<vmem>>, vector<16xf32>,
    tpu.vector_store %arg9[%swap3A_115], %broadcast_in_dim3A_3 {strides = array<i32>} : memref<2688xf32, #tpu.memory_space<vmem>>, vector<16xf32>,
    %swap3A_117 = arith.constant 912 : index
    %swap3A_118 = tpu.vector_load %arg9[%swap3A_117] {strides = array<i32>} : memref<2688xf32, #tpu.memory_space<vmem>>, vector<16xf32>,
    tpu.vector_store %arg9[%swap3A_117], %broadcast_in_dim3A_3 {strides = array<i32>} : memref<2688xf32, #tpu.memory_space<vmem>>, vector<16xf32>,
    %swap3A_119 = arith.constant 928 : index
    %swap3A_120 = tpu.vector_load %arg9[%swap3A_119] {strides = array<i32>} : memref<2688xf32, #tpu.memory_space<vmem>>, vector<16xf32>,
    tpu.vector_store %arg9[%swap3A_119], %broadcast_in_dim3A_3 {strides = array<i32>} : memref<2688xf32, #tpu.memory_space<vmem>>, vector<16xf32>,
    %swap3A_121 = arith.constant 944 : index
    %swap3A_122 = tpu.vector_load %arg9[%swap3A_121] {strides = array<i32>} : memref<2688xf32, #tpu.memory_space<vmem>>, vector<16xf32>,
    tpu.vector_store %arg9[%swap3A_121], %broadcast_in_dim3A_3 {strides = array<i32>} : memref<2688xf32, #tpu.memory_space<vmem>>, vector<16xf32>,
    %swap3A_123 = arith.constant 960 : index
    %swap3A_124 = tpu.vector_load %arg9[%swap3A_123] {strides = array<i32>} : memref<2688xf32, #tpu.memory_space<vmem>>, vector<16xf32>,
    tpu.vector_store %arg9[%swap3A_123], %broadcast_in_dim3A_3 {strides = array<i32>} : memref<2688xf32, #tpu.memory_space<vmem>>, vector<16xf32>,
    %swap3A_125 = arith.constant 976 : index
    %swap3A_126 = tpu.vector_load %arg9[%swap3A_125] {strides = array<i32>} : memref<2688xf32, #tpu.memory_space<vmem>>, vector<16xf32>,
    tpu.vector_store %arg9[%swap3A_125], %broadcast_in_dim3A_3 {strides = array<i32>} : memref<2688xf32, #tpu.memory_space<vmem>>, vector<16xf32>,
    %swap3A_127 = arith.constant 992 : index
    %swap3A_128 = tpu.vector_load %arg9[%swap3A_127] {strides = array<i32>} : memref<2688xf32, #tpu.memory_space<vmem>>, vector<16xf32>,
    tpu.vector_store %arg9[%swap3A_127], %broadcast_in_dim3A_3 {strides = array<i32>} : memref<2688xf32, #tpu.memory_space<vmem>>, vector<16xf32>,
    %swap3A_129 = arith.constant 1008 : index
    %swap3A_130 = tpu.vector_load %arg9[%swap3A_129] {strides = array<i32>} : memref<2688xf32, #tpu.memory_space<vmem>>, vector<16xf32>,
    tpu.vector_store %arg9[%swap3A_129], %broadcast_in_dim3A_3 {strides = array<i32>} : memref<2688xf32, #tpu.memory_space<vmem>>, vector<16xf32>,
    %swap3A_131 = arith.constant 1024 : index
    %swap3A_132 = tpu.vector_load %arg9[%swap3A_131] {strides = array<i32>} : memref<2688xf32, #tpu.memory_space<vmem>>, vector<16xf32>,
    tpu.vector_store %arg9[%swap3A_131], %broadcast_in_dim3A_3 {strides = array<i32>} : memref<2688xf32, #tpu.memory_space<vmem>>, vector<16xf32>,
    %swap3A_133 = arith.constant 1040 : index
    %swap3A_134 = tpu.vector_load %arg9[%swap3A_133] {strides = array<i32>} : memref<2688xf32, #tpu.memory_space<vmem>>, vector<16xf32>,
    tpu.vector_store %arg9[%swap3A_133], %broadcast_in_dim3A_3 {strides = array<i32>} : memref<2688xf32, #tpu.memory_space<vmem>>, vector<16xf32>,
    %swap3A_135 = arith.constant 1056 : index
    %swap3A_136 = tpu.vector_load %arg9[%swap3A_135] {strides = array<i32>} : memref<2688xf32, #tpu.memory_space<vmem>>, vector<16xf32>,
    tpu.vector_store %arg9[%swap3A_135], %broadcast_in_dim3A_3 {strides = array<i32>} : memref<2688xf32, #tpu.memory_space<vmem>>, vector<16xf32>,
    %swap3A_137 = arith.constant 1072 : index
    %swap3A_138 = tpu.vector_load %arg9[%swap3A_137] {strides = array<i32>} : memref<2688xf32, #tpu.memory_space<vmem>>, vector<16xf32>,
    tpu.vector_store %arg9[%swap3A_137], %broadcast_in_dim3A_3 {strides = array<i32>} : memref<2688xf32, #tpu.memory_space<vmem>>, vector<16xf32>,
    %swap3A_139 = arith.constant 1088 : index
    %swap3A_140 = tpu.vector_load %arg9[%swap3A_139] {strides = array<i32>} : memref<2688xf32, #tpu.memory_space<vmem>>, vector<16xf32>,
    tpu.vector_store %arg9[%swap3A_139], %broadcast_in_dim3A_3 {strides = array<i32>} : memref<2688xf32, #tpu.memory_space<vmem>>, vector<16xf32>,
    %swap3A_141 = arith.constant 1104 : index
    %swap3A_142 = tpu.vector_load %arg9[%swap3A_141] {strides = array<i32>} : memref<2688xf32, #tpu.memory_space<vmem>>, vector<16xf32>,
    tpu.vector_store %arg9[%swap3A_141], %broadcast_in_dim3A_3 {strides = array<i32>} : memref<2688xf32, #tpu.memory_space<vmem>>, vector<16xf32>,
    %swap3A_143 = arith.constant 1120 : index
    %swap3A_144 = tpu.vector_load %arg9[%swap3A_143] {strides = array<i32>} : memref<2688xf32, #tpu.memory_space<vmem>>, vector<16xf32>,
    tpu.vector_store %arg9[%swap3A_143], %broadcast_in_dim3A_3 {strides = array<i32>} : memref<2688xf32, #tpu.memory_space<vmem>>, vector<16xf32>,
    %swap3A_145 = arith.constant 1136 : index
    %swap3A_146 = tpu.vector_load %arg9[%swap3A_145] {strides = array<i32>} : memref<2688xf32, #tpu.memory_space<vmem>>, vector<16xf32>,
    tpu.vector_store %arg9[%swap3A_145], %broadcast_in_dim3A_3 {strides = array<i32>} : memref<2688xf32, #tpu.memory_space<vmem>>, vector<16xf32>,
    %swap3A_147 = arith.constant 1152 : index
    %swap3A_148 = tpu.vector_load %arg9[%swap3A_147] {strides = array<i32>} : memref<2688xf32, #tpu.memory_space<vmem>>, vector<16xf32>,
    tpu.vector_store %arg9[%swap3A_147], %broadcast_in_dim3A_3 {strides = array<i32>} : memref<2688xf32, #tpu.memory_space<vmem>>, vector<16xf32>,
    %swap3A_149 = arith.constant 1168 : index
    %swap3A_150 = tpu.vector_load %arg9[%swap3A_149] {strides = array<i32>} : memref<2688xf32, #tpu.memory_space<vmem>>, vector<16xf32>,
    tpu.vector_store %arg9[%swap3A_149], %broadcast_in_dim3A_3 {strides = array<i32>} : memref<2688xf32, #tpu.memory_space<vmem>>, vector<16xf32>,
    %swap3A_151 = arith.constant 1184 : index
    %swap3A_152 = tpu.vector_load %arg9[%swap3A_151] {strides = array<i32>} : memref<2688xf32, #tpu.memory_space<vmem>>, vector<16xf32>,
    tpu.vector_store %arg9[%swap3A_151], %broadcast_in_dim3A_3 {strides = array<i32>} : memref<2688xf32, #tpu.memory_space<vmem>>, vector<16xf32>,
    %swap3A_153 = arith.constant 1200 : index
    %swap3A_154 = tpu.vector_load %arg9[%swap3A_153] {strides = array<i32>} : memref<2688xf32, #tpu.memory_space<vmem>>, vector<16xf32>,
    tpu.vector_store %arg9[%swap3A_153], %broadcast_in_dim3A_3 {strides = array<i32>} : memref<2688xf32, #tpu.memory_space<vmem>>, vector<16xf32>,
    %swap3A_155 = arith.constant 1216 : index
    %swap3A_156 = tpu.vector_load %arg9[%swap3A_155] {strides = array<i32>} : memref<2688xf32, #tpu.memory_space<vmem>>, vector<16xf32>,
    tpu.vector_store %arg9[%swap3A_155], %broadcast_in_dim3A_3 {strides = array<i32>} : memref<2688xf32, #tpu.memory_space<vmem>>, vector<16xf32>,
    %swap3A_157 = arith.constant 1232 : index
    %swap3A_158 = tpu.vector_load %arg9[%swap3A_157] {strides = array<i32>} : memref<2688xf32, #tpu.memory_space<vmem>>, vector<16xf32>,
    tpu.vector_store %arg9[%swap3A_157], %broadcast_in_dim3A_3 {strides = array<i32>} : memref<2688xf32, #tpu.memory_space<vmem>>, vector<16xf32>,
    %swap3A_159 = arith.constant 1248 : index
    %swap3A_160 = tpu.vector_load %arg9[%swap3A_159] {strides = array<i32>} : memref<2688xf32, #tpu.memory_space<vmem>>, vector<16xf32>,
    tpu.vector_store %arg9[%swap3A_159], %broadcast_in_dim3A_3 {strides = array<i32>} : memref<2688xf32, #tpu.memory_space<vmem>>, vector<16xf32>,
    %swap3A_161 = arith.constant 1264 : index
    %swap3A_162 = tpu.vector_load %arg9[%swap3A_161] {strides = array<i32>} : memref<2688xf32, #tpu.memory_space<vmem>>, vector<16xf32>,
    tpu.vector_store %arg9[%swap3A_161], %broadcast_in_dim3A_3 {strides = array<i32>} : memref<2688xf32, #tpu.memory_space<vmem>>, vector<16xf32>,
    %swap3A_163 = arith.constant 1280 : index
    %swap3A_164 = tpu.vector_load %arg9[%swap3A_163] {strides = array<i32>} : memref<2688xf32, #tpu.memory_space<vmem>>, vector<16xf32>,
    tpu.vector_store %arg9[%swap3A_163], %broadcast_in_dim3A_3 {strides = array<i32>} : memref<2688xf32, #tpu.memory_space<vmem>>, vector<16xf32>,
    %swap3A_165 = arith.constant 1296 : index
    %swap3A_166 = tpu.vector_load %arg9[%swap3A_165] {strides = array<i32>} : memref<2688xf32, #tpu.memory_space<vmem>>, vector<16xf32>,
    tpu.vector_store %arg9[%swap3A_165], %broadcast_in_dim3A_3 {strides = array<i32>} : memref<2688xf32, #tpu.memory_space<vmem>>, vector<16xf32>,
    %swap3A_167 = arith.constant 1312 : index
    %swap3A_168 = tpu.vector_load %arg9[%swap3A_167] {strides = array<i32>} : memref<2688xf32, #tpu.memory_space<vmem>>, vector<16xf32>,
    tpu.vector_store %arg9[%swap3A_167], %broadcast_in_dim3A_3 {strides = array<i32>} : memref<2688xf32, #tpu.memory_space<vmem>>, vector<16xf32>,
    %swap3A_169 = arith.constant 1328 : index
    %swap3A_170 = tpu.vector_load %arg9[%swap3A_169] {strides = array<i32>} : memref<2688xf32, #tpu.memory_space<vmem>>, vector<16xf32>,
    tpu.vector_store %arg9[%swap3A_169], %broadcast_in_dim3A_3 {strides = array<i32>} : memref<2688xf32, #tpu.memory_space<vmem>>, vector<16xf32>,
    %swap3A_171 = arith.constant 1344 : index
    %swap3A_172 = tpu.vector_load %arg9[%swap3A_171] {strides = array<i32>} : memref<2688xf32, #tpu.memory_space<vmem>>, vector<16xf32>,
    tpu.vector_store %arg9[%swap3A_171], %broadcast_in_dim3A_3 {strides = array<i32>} : memref<2688xf32, #tpu.memory_space<vmem>>, vector<16xf32>,
    %swap3A_173 = arith.constant 1360 : index
    %swap3A_174 = tpu.vector_load %arg9[%swap3A_173] {strides = array<i32>} : memref<2688xf32, #tpu.memory_space<vmem>>, vector<16xf32>,
    tpu.vector_store %arg9[%swap3A_173], %broadcast_in_dim3A_3 {strides = array<i32>} : memref<2688xf32, #tpu.memory_space<vmem>>, vector<16xf32>,
    %swap3A_175 = arith.constant 1376 : index
    %swap3A_176 = tpu.vector_load %arg9[%swap3A_175] {strides = array<i32>} : memref<2688xf32, #tpu.memory_space<vmem>>, vector<16xf32>,
    tpu.vector_store %arg9[%swap3A_175], %broadcast_in_dim3A_3 {strides = array<i32>} : memref<2688xf32, #tpu.memory_space<vmem>>, vector<16xf32>,
    %swap3A_177 = arith.constant 1392 : index
    %swap3A_178 = tpu.vector_load %arg9[%swap3A_177] {strides = array<i32>} : memref<2688xf32, #tpu.memory_space<vmem>>, vector<16xf32>,
    tpu.vector_store %arg9[%swap3A_177], %broadcast_in_dim3A_3 {strides = array<i32>} : memref<2688xf32, #tpu.memory_space<vmem>>, vector<16xf32>,
    %swap3A_179 = arith.constant 1408 : index
    %swap3A_180 = tpu.vector_load %arg9[%swap3A_179] {strides = array<i32>} : memref<2688xf32, #tpu.memory_space<vmem>>, vector<16xf32>,
    tpu.vector_store %arg9[%swap3A_179], %broadcast_in_dim3A_3 {strides = array<i32>} : memref<2688xf32, #tpu.memory_space<vmem>>, vector<16xf32>,
    %swap3A_181 = arith.constant 1424 : index
    %swap3A_182 = tpu.vector_load %arg9[%swap3A_181] {strides = array<i32>} : memref<2688xf32, #tpu.memory_space<vmem>>, vector<16xf32>,
    tpu.vector_store %arg9[%swap3A_181], %broadcast_in_dim3A_3 {strides = array<i32>} : memref<2688xf32, #tpu.memory_space<vmem>>, vector<16xf32>,
    %swap3A_183 = arith.constant 1440 : index
    %swap3A_184 = tpu.vector_load %arg9[%swap3A_183] {strides = array<i32>} : memref<2688xf32, #tpu.memory_space<vmem>>, vector<16xf32>,
    tpu.vector_store %arg9[%swap3A_183], %broadcast_in_dim3A_3 {strides = array<i32>} : memref<2688xf32, #tpu.memory_space<vmem>>, vector<16xf32>,
    %swap3A_185 = arith.constant 1456 : index
    %swap3A_186 = tpu.vector_load %arg9[%swap3A_185] {strides = array<i32>} : memref<2688xf32, #tpu.memory_space<vmem>>, vector<16xf32>,
    tpu.vector_store %arg9[%swap3A_185], %broadcast_in_dim3A_3 {strides = array<i32>} : memref<2688xf32, #tpu.memory_space<vmem>>, vector<16xf32>,
    %swap3A_187 = arith.constant 1472 : index
    %swap3A_188 = tpu.vector_load %arg9[%swap3A_187] {strides = array<i32>} : memref<2688xf32, #tpu.memory_space<vmem>>, vector<16xf32>,
    tpu.vector_store %arg9[%swap3A_187], %broadcast_in_dim3A_3 {strides = array<i32>} : memref<2688xf32, #tpu.memory_space<vmem>>, vector<16xf32>,
    %swap3A_189 = arith.constant 1488 : index
    %swap3A_190 = tpu.vector_load %arg9[%swap3A_189] {strides = array<i32>} : memref<2688xf32, #tpu.memory_space<vmem>>, vector<16xf32>,
    tpu.vector_store %arg9[%swap3A_189], %broadcast_in_dim3A_3 {strides = array<i32>} : memref<2688xf32, #tpu.memory_space<vmem>>, vector<16xf32>,
    %swap3A_191 = arith.constant 1504 : index
    %swap3A_192 = tpu.vector_load %arg9[%swap3A_191] {strides = array<i32>} : memref<2688xf32, #tpu.memory_space<vmem>>, vector<16xf32>,
    tpu.vector_store %arg9[%swap3A_191], %broadcast_in_dim3A_3 {strides = array<i32>} : memref<2688xf32, #tpu.memory_space<vmem>>, vector<16xf32>,
    %swap3A_193 = arith.constant 1520 : index
    %swap3A_194 = tpu.vector_load %arg9[%swap3A_193] {strides = array<i32>} : memref<2688xf32, #tpu.memory_space<vmem>>, vector<16xf32>,
    tpu.vector_store %arg9[%swap3A_193], %broadcast_in_dim3A_3 {strides = array<i32>} : memref<2688xf32, #tpu.memory_space<vmem>>, vector<16xf32>,
    %swap3A_195 = arith.constant 1536 : index
    %swap3A_196 = tpu.vector_load %arg9[%swap3A_195] {strides = array<i32>} : memref<2688xf32, #tpu.memory_space<vmem>>, vector<16xf32>,
    tpu.vector_store %arg9[%swap3A_195], %broadcast_in_dim3A_3 {strides = array<i32>} : memref<2688xf32, #tpu.memory_space<vmem>>, vector<16xf32>,
    %swap3A_197 = arith.constant 1552 : index
    %swap3A_198 = tpu.vector_load %arg9[%swap3A_197] {strides = array<i32>} : memref<2688xf32, #tpu.memory_space<vmem>>, vector<16xf32>,
    tpu.vector_store %arg9[%swap3A_197], %broadcast_in_dim3A_3 {strides = array<i32>} : memref<2688xf32, #tpu.memory_space<vmem>>, vector<16xf32>,
    %swap3A_199 = arith.constant 1568 : index
    %swap3A_200 = tpu.vector_load %arg9[%swap3A_199] {strides = array<i32>} : memref<2688xf32, #tpu.memory_space<vmem>>, vector<16xf32>,
    tpu.vector_store %arg9[%swap3A_199], %broadcast_in_dim3A_3 {strides = array<i32>} : memref<2688xf32, #tpu.memory_space<vmem>>, vector<16xf32>,
    %swap3A_201 = arith.constant 1584 : index
    %swap3A_202 = tpu.vector_load %arg9[%swap3A_201] {strides = array<i32>} : memref<2688xf32, #tpu.memory_space<vmem>>, vector<16xf32>,
    tpu.vector_store %arg9[%swap3A_201], %broadcast_in_dim3A_3 {strides = array<i32>} : memref<2688xf32, #tpu.memory_space<vmem>>, vector<16xf32>,
    %swap3A_203 = arith.constant 1600 : index
    %swap3A_204 = tpu.vector_load %arg9[%swap3A_203] {strides = array<i32>} : memref<2688xf32, #tpu.memory_space<vmem>>, vector<16xf32>,
    tpu.vector_store %arg9[%swap3A_203], %broadcast_in_dim3A_3 {strides = array<i32>} : memref<2688xf32, #tpu.memory_space<vmem>>, vector<16xf32>,
    %swap3A_205 = arith.constant 1616 : index
    %swap3A_206 = tpu.vector_load %arg9[%swap3A_205] {strides = array<i32>} : memref<2688xf32, #tpu.memory_space<vmem>>, vector<16xf32>,
    tpu.vector_store %arg9[%swap3A_205], %broadcast_in_dim3A_3 {strides = array<i32>} : memref<2688xf32, #tpu.memory_space<vmem>>, vector<16xf32>,
    %swap3A_207 = arith.constant 1632 : index
    %swap3A_208 = tpu.vector_load %arg9[%swap3A_207] {strides = array<i32>} : memref<2688xf32, #tpu.memory_space<vmem>>, vector<16xf32>,
    tpu.vector_store %arg9[%swap3A_207], %broadcast_in_dim3A_3 {strides = array<i32>} : memref<2688xf32, #tpu.memory_space<vmem>>, vector<16xf32>,
    %swap3A_209 = arith.constant 1648 : index
    %swap3A_210 = tpu.vector_load %arg9[%swap3A_209] {strides = array<i32>} : memref<2688xf32, #tpu.memory_space<vmem>>, vector<16xf32>,
    tpu.vector_store %arg9[%swap3A_209], %broadcast_in_dim3A_3 {strides = array<i32>} : memref<2688xf32, #tpu.memory_space<vmem>>, vector<16xf32>,
    %swap3A_211 = arith.constant 1664 : index
    %swap3A_212 = tpu.vector_load %arg9[%swap3A_211] {strides = array<i32>} : memref<2688xf32, #tpu.memory_space<vmem>>, vector<16xf32>,
    tpu.vector_store %arg9[%swap3A_211], %broadcast_in_dim3A_3 {strides = array<i32>} : memref<2688xf32, #tpu.memory_space<vmem>>, vector<16xf32>,
    %swap3A_213 = arith.constant 1680 : index
    %swap3A_214 = tpu.vector_load %arg9[%swap3A_213] {strides = array<i32>} : memref<2688xf32, #tpu.memory_space<vmem>>, vector<16xf32>,
    tpu.vector_store %arg9[%swap3A_213], %broadcast_in_dim3A_3 {strides = array<i32>} : memref<2688xf32, #tpu.memory_space<vmem>>, vector<16xf32>,
    %swap3A_215 = arith.constant 1696 : index
    %swap3A_216 = tpu.vector_load %arg9[%swap3A_215] {strides = array<i32>} : memref<2688xf32, #tpu.memory_space<vmem>>, vector<16xf32>,
    tpu.vector_store %arg9[%swap3A_215], %broadcast_in_dim3A_3 {strides = array<i32>} : memref<2688xf32, #tpu.memory_space<vmem>>, vector<16xf32>,
    %swap3A_217 = arith.constant 1712 : index
    %swap3A_218 = tpu.vector_load %arg9[%swap3A_217] {strides = array<i32>} : memref<2688xf32, #tpu.memory_space<vmem>>, vector<16xf32>,
    tpu.vector_store %arg9[%swap3A_217], %broadcast_in_dim3A_3 {strides = array<i32>} : memref<2688xf32, #tpu.memory_space<vmem>>, vector<16xf32>,
    %swap3A_219 = arith.constant 1728 : index
    %swap3A_220 = tpu.vector_load %arg9[%swap3A_219] {strides = array<i32>} : memref<2688xf32, #tpu.memory_space<vmem>>, vector<16xf32>,
    tpu.vector_store %arg9[%swap3A_219], %broadcast_in_dim3A_3 {strides = array<i32>} : memref<2688xf32, #tpu.memory_space<vmem>>, vector<16xf32>,
    %swap3A_221 = arith.constant 1744 : index
    %swap3A_222 = tpu.vector_load %arg9[%swap3A_221] {strides = array<i32>} : memref<2688xf32, #tpu.memory_space<vmem>>, vector<16xf32>,
    tpu.vector_store %arg9[%swap3A_221], %broadcast_in_dim3A_3 {strides = array<i32>} : memref<2688xf32, #tpu.memory_space<vmem>>, vector<16xf32>,
    %swap3A_223 = arith.constant 1760 : index
    %swap3A_224 = tpu.vector_load %arg9[%swap3A_223] {strides = array<i32>} : memref<2688xf32, #tpu.memory_space<vmem>>, vector<16xf32>,
    tpu.vector_store %arg9[%swap3A_223], %broadcast_in_dim3A_3 {strides = array<i32>} : memref<2688xf32, #tpu.memory_space<vmem>>, vector<16xf32>,
    %swap3A_225 = arith.constant 1776 : index
    %swap3A_226 = tpu.vector_load %arg9[%swap3A_225] {strides = array<i32>} : memref<2688xf32, #tpu.memory_space<vmem>>, vector<16xf32>,
    tpu.vector_store %arg9[%swap3A_225], %broadcast_in_dim3A_3 {strides = array<i32>} : memref<2688xf32, #tpu.memory_space<vmem>>, vector<16xf32>,
    %swap3A_227 = arith.constant 1792 : index
    %swap3A_228 = tpu.vector_load %arg9[%swap3A_227] {strides = array<i32>} : memref<2688xf32, #tpu.memory_space<vmem>>, vector<16xf32>,
    tpu.vector_store %arg9[%swap3A_227], %broadcast_in_dim3A_3 {strides = array<i32>} : memref<2688xf32, #tpu.memory_space<vmem>>, vector<16xf32>,
    %swap3A_229 = arith.constant 1808 : index
    %swap3A_230 = tpu.vector_load %arg9[%swap3A_229] {strides = array<i32>} : memref<2688xf32, #tpu.memory_space<vmem>>, vector<16xf32>,
    tpu.vector_store %arg9[%swap3A_229], %broadcast_in_dim3A_3 {strides = array<i32>} : memref<2688xf32, #tpu.memory_space<vmem>>, vector<16xf32>,
    %swap3A_231 = arith.constant 1824 : index
    %swap3A_232 = tpu.vector_load %arg9[%swap3A_231] {strides = array<i32>} : memref<2688xf32, #tpu.memory_space<vmem>>, vector<16xf32>,
    tpu.vector_store %arg9[%swap3A_231], %broadcast_in_dim3A_3 {strides = array<i32>} : memref<2688xf32, #tpu.memory_space<vmem>>, vector<16xf32>,
    %swap3A_233 = arith.constant 1840 : index
    %swap3A_234 = tpu.vector_load %arg9[%swap3A_233] {strides = array<i32>} : memref<2688xf32, #tpu.memory_space<vmem>>, vector<16xf32>,
    tpu.vector_store %arg9[%swap3A_233], %broadcast_in_dim3A_3 {strides = array<i32>} : memref<2688xf32, #tpu.memory_space<vmem>>, vector<16xf32>,
    %swap3A_235 = arith.constant 1856 : index
    %swap3A_236 = tpu.vector_load %arg9[%swap3A_235] {strides = array<i32>} : memref<2688xf32, #tpu.memory_space<vmem>>, vector<16xf32>,
    tpu.vector_store %arg9[%swap3A_235], %broadcast_in_dim3A_3 {strides = array<i32>} : memref<2688xf32, #tpu.memory_space<vmem>>, vector<16xf32>,
    %swap3A_237 = arith.constant 1872 : index
    %swap3A_238 = tpu.vector_load %arg9[%swap3A_237] {strides = array<i32>} : memref<2688xf32, #tpu.memory_space<vmem>>, vector<16xf32>,
    tpu.vector_store %arg9[%swap3A_237], %broadcast_in_dim3A_3 {strides = array<i32>} : memref<2688xf32, #tpu.memory_space<vmem>>, vector<16xf32>,
    %swap3A_239 = arith.constant 1888 : index
    %swap3A_240 = tpu.vector_load %arg9[%swap3A_239] {strides = array<i32>} : memref<2688xf32, #tpu.memory_space<vmem>>, vector<16xf32>,
    tpu.vector_store %arg9[%swap3A_239], %broadcast_in_dim3A_3 {strides = array<i32>} : memref<2688xf32, #tpu.memory_space<vmem>>, vector<16xf32>,
    %swap3A_241 = arith.constant 1904 : index
    %swap3A_242 = tpu.vector_load %arg9[%swap3A_241] {strides = array<i32>} : memref<2688xf32, #tpu.memory_space<vmem>>, vector<16xf32>,
    tpu.vector_store %arg9[%swap3A_241], %broadcast_in_dim3A_3 {strides = array<i32>} : memref<2688xf32, #tpu.memory_space<vmem>>, vector<16xf32>,
    %swap3A_243 = arith.constant 1920 : index
    %swap3A_244 = tpu.vector_load %arg9[%swap3A_243] {strides = array<i32>} : memref<2688xf32, #tpu.memory_space<vmem>>, vector<16xf32>,
    tpu.vector_store %arg9[%swap3A_243], %broadcast_in_dim3A_3 {strides = array<i32>} : memref<2688xf32, #tpu.memory_space<vmem>>, vector<16xf32>,
    %swap3A_245 = arith.constant 1936 : index
    %swap3A_246 = tpu.vector_load %arg9[%swap3A_245] {strides = array<i32>} : memref<2688xf32, #tpu.memory_space<vmem>>, vector<16xf32>,
    tpu.vector_store %arg9[%swap3A_245], %broadcast_in_dim3A_3 {strides = array<i32>} : memref<2688xf32, #tpu.memory_space<vmem>>, vector<16xf32>,
    %swap3A_247 = arith.constant 1952 : index
    %swap3A_248 = tpu.vector_load %arg9[%swap3A_247] {strides = array<i32>} : memref<2688xf32, #tpu.memory_space<vmem>>, vector<16xf32>,
    tpu.vector_store %arg9[%swap3A_247], %broadcast_in_dim3A_3 {strides = array<i32>} : memref<2688xf32, #tpu.memory_space<vmem>>, vector<16xf32>,
    %swap3A_249 = arith.constant 1968 : index
    %swap3A_250 = tpu.vector_load %arg9[%swap3A_249] {strides = array<i32>} : memref<2688xf32, #tpu.memory_space<vmem>>, vector<16xf32>,
    tpu.vector_store %arg9[%swap3A_249], %broadcast_in_dim3A_3 {strides = array<i32>} : memref<2688xf32, #tpu.memory_space<vmem>>, vector<16xf32>,
    %swap3A_251 = arith.constant 1984 : index
    %swap3A_252 = tpu.vector_load %arg9[%swap3A_251] {strides = array<i32>} : memref<2688xf32, #tpu.memory_space<vmem>>, vector<16xf32>,
    tpu.vector_store %arg9[%swap3A_251], %broadcast_in_dim3A_3 {strides = array<i32>} : memref<2688xf32, #tpu.memory_space<vmem>>, vector<16xf32>,
    %swap3A_253 = arith.constant 2000 : index
    %swap3A_254 = tpu.vector_load %arg9[%swap3A_253] {strides = array<i32>} : memref<2688xf32, #tpu.memory_space<vmem>>, vector<16xf32>,
    tpu.vector_store %arg9[%swap3A_253], %broadcast_in_dim3A_3 {strides = array<i32>} : memref<2688xf32, #tpu.memory_space<vmem>>, vector<16xf32>,
    %swap3A_255 = arith.constant 2016 : index
    %swap3A_256 = tpu.vector_load %arg9[%swap3A_255] {strides = array<i32>} : memref<2688xf32, #tpu.memory_space<vmem>>, vector<16xf32>,
    tpu.vector_store %arg9[%swap3A_255], %broadcast_in_dim3A_3 {strides = array<i32>} : memref<2688xf32, #tpu.memory_space<vmem>>, vector<16xf32>,
    %swap3A_257 = arith.constant 2032 : index
    %swap3A_258 = tpu.vector_load %arg9[%swap3A_257] {strides = array<i32>} : memref<2688xf32, #tpu.memory_space<vmem>>, vector<16xf32>,
    tpu.vector_store %arg9[%swap3A_257], %broadcast_in_dim3A_3 {strides = array<i32>} : memref<2688xf32, #tpu.memory_space<vmem>>, vector<16xf32>,
    %swap3A_259 = arith.constant 2048 : index
    %swap3A_260 = tpu.vector_load %arg9[%swap3A_259] {strides = array<i32>} : memref<2688xf32, #tpu.memory_space<vmem>>, vector<16xf32>,
    tpu.vector_store %arg9[%swap3A_259], %broadcast_in_dim3A_3 {strides = array<i32>} : memref<2688xf32, #tpu.memory_space<vmem>>, vector<16xf32>,
    %swap3A_261 = arith.constant 2064 : index
    %swap3A_262 = tpu.vector_load %arg9[%swap3A_261] {strides = array<i32>} : memref<2688xf32, #tpu.memory_space<vmem>>, vector<16xf32>,
    tpu.vector_store %arg9[%swap3A_261], %broadcast_in_dim3A_3 {strides = array<i32>} : memref<2688xf32, #tpu.memory_space<vmem>>, vector<16xf32>,
    %swap3A_263 = arith.constant 2080 : index
    %swap3A_264 = tpu.vector_load %arg9[%swap3A_263] {strides = array<i32>} : memref<2688xf32, #tpu.memory_space<vmem>>, vector<16xf32>,
    tpu.vector_store %arg9[%swap3A_263], %broadcast_in_dim3A_3 {strides = array<i32>} : memref<2688xf32, #tpu.memory_space<vmem>>, vector<16xf32>,
    %swap3A_265 = arith.constant 2096 : index
    %swap3A_266 = tpu.vector_load %arg9[%swap3A_265] {strides = array<i32>} : memref<2688xf32, #tpu.memory_space<vmem>>, vector<16xf32>,
    tpu.vector_store %arg9[%swap3A_265], %broadcast_in_dim3A_3 {strides = array<i32>} : memref<2688xf32, #tpu.memory_space<vmem>>, vector<16xf32>,
    %swap3A_267 = arith.constant 2112 : index
    %swap3A_268 = tpu.vector_load %arg9[%swap3A_267] {strides = array<i32>} : memref<2688xf32, #tpu.memory_space<vmem>>, vector<16xf32>,
    tpu.vector_store %arg9[%swap3A_267], %broadcast_in_dim3A_3 {strides = array<i32>} : memref<2688xf32, #tpu.memory_space<vmem>>, vector<16xf32>,
    %swap3A_269 = arith.constant 2128 : index
    %swap3A_270 = tpu.vector_load %arg9[%swap3A_269] {strides = array<i32>} : memref<2688xf32, #tpu.memory_space<vmem>>, vector<16xf32>,
    tpu.vector_store %arg9[%swap3A_269], %broadcast_in_dim3A_3 {strides = array<i32>} : memref<2688xf32, #tpu.memory_space<vmem>>, vector<16xf32>,
    %swap3A_271 = arith.constant 2144 : index
    %swap3A_272 = tpu.vector_load %arg9[%swap3A_271] {strides = array<i32>} : memref<2688xf32, #tpu.memory_space<vmem>>, vector<16xf32>,
    tpu.vector_store %arg9[%swap3A_271], %broadcast_in_dim3A_3 {strides = array<i32>} : memref<2688xf32, #tpu.memory_space<vmem>>, vector<16xf32>,
    %swap3A_273 = arith.constant 2160 : index
    %swap3A_274 = tpu.vector_load %arg9[%swap3A_273] {strides = array<i32>} : memref<2688xf32, #tpu.memory_space<vmem>>, vector<16xf32>,
    tpu.vector_store %arg9[%swap3A_273], %broadcast_in_dim3A_3 {strides = array<i32>} : memref<2688xf32, #tpu.memory_space<vmem>>, vector<16xf32>,
    %swap3A_275 = arith.constant 2176 : index
    %swap3A_276 = tpu.vector_load %arg9[%swap3A_275] {strides = array<i32>} : memref<2688xf32, #tpu.memory_space<vmem>>, vector<16xf32>,
    tpu.vector_store %arg9[%swap3A_275], %broadcast_in_dim3A_3 {strides = array<i32>} : memref<2688xf32, #tpu.memory_space<vmem>>, vector<16xf32>,
    %swap3A_277 = arith.constant 2192 : index
    %swap3A_278 = tpu.vector_load %arg9[%swap3A_277] {strides = array<i32>} : memref<2688xf32, #tpu.memory_space<vmem>>, vector<16xf32>,
    tpu.vector_store %arg9[%swap3A_277], %broadcast_in_dim3A_3 {strides = array<i32>} : memref<2688xf32, #tpu.memory_space<vmem>>, vector<16xf32>,
    %swap3A_279 = arith.constant 2208 : index
    %swap3A_280 = tpu.vector_load %arg9[%swap3A_279] {strides = array<i32>} : memref<2688xf32, #tpu.memory_space<vmem>>, vector<16xf32>,
    tpu.vector_store %arg9[%swap3A_279], %broadcast_in_dim3A_3 {strides = array<i32>} : memref<2688xf32, #tpu.memory_space<vmem>>, vector<16xf32>,
    %swap3A_281 = arith.constant 2224 : index
    %swap3A_282 = tpu.vector_load %arg9[%swap3A_281] {strides = array<i32>} : memref<2688xf32, #tpu.memory_space<vmem>>, vector<16xf32>,
    tpu.vector_store %arg9[%swap3A_281], %broadcast_in_dim3A_3 {strides = array<i32>} : memref<2688xf32, #tpu.memory_space<vmem>>, vector<16xf32>,
    %swap3A_283 = arith.constant 2240 : index
    %swap3A_284 = tpu.vector_load %arg9[%swap3A_283] {strides = array<i32>} : memref<2688xf32, #tpu.memory_space<vmem>>, vector<16xf32>,
    tpu.vector_store %arg9[%swap3A_283], %broadcast_in_dim3A_3 {strides = array<i32>} : memref<2688xf32, #tpu.memory_space<vmem>>, vector<16xf32>,
    %swap3A_285 = arith.constant 2256 : index
    %swap3A_286 = tpu.vector_load %arg9[%swap3A_285] {strides = array<i32>} : memref<2688xf32, #tpu.memory_space<vmem>>, vector<16xf32>,
    tpu.vector_store %arg9[%swap3A_285], %broadcast_in_dim3A_3 {strides = array<i32>} : memref<2688xf32, #tpu.memory_space<vmem>>, vector<16xf32>,
    %swap3A_287 = arith.constant 2272 : index
    %swap3A_288 = tpu.vector_load %arg9[%swap3A_287] {strides = array<i32>} : memref<2688xf32, #tpu.memory_space<vmem>>, vector<16xf32>,
    tpu.vector_store %arg9[%swap3A_287], %broadcast_in_dim3A_3 {strides = array<i32>} : memref<2688xf32, #tpu.memory_space<vmem>>, vector<16xf32>,
    %swap3A_289 = arith.constant 2288 : index
    %swap3A_290 = tpu.vector_load %arg9[%swap3A_289] {strides = array<i32>} : memref<2688xf32, #tpu.memory_space<vmem>>, vector<16xf32>,
    tpu.vector_store %arg9[%swap3A_289], %broadcast_in_dim3A_3 {strides = array<i32>} : memref<2688xf32, #tpu.memory_space<vmem>>, vector<16xf32>,
    %swap3A_291 = arith.constant 2304 : index
    %swap3A_292 = tpu.vector_load %arg9[%swap3A_291] {strides = array<i32>} : memref<2688xf32, #tpu.memory_space<vmem>>, vector<16xf32>,
    tpu.vector_store %arg9[%swap3A_291], %broadcast_in_dim3A_3 {strides = array<i32>} : memref<2688xf32, #tpu.memory_space<vmem>>, vector<16xf32>,
    %swap3A_293 = arith.constant 2320 : index
    %swap3A_294 = tpu.vector_load %arg9[%swap3A_293] {strides = array<i32>} : memref<2688xf32, #tpu.memory_space<vmem>>, vector<16xf32>,
    tpu.vector_store %arg9[%swap3A_293], %broadcast_in_dim3A_3 {strides = array<i32>} : memref<2688xf32, #tpu.memory_space<vmem>>, vector<16xf32>,
    %swap3A_295 = arith.constant 2336 : index
    %swap3A_296 = tpu.vector_load %arg9[%swap3A_295] {strides = array<i32>} : memref<2688xf32, #tpu.memory_space<vmem>>, vector<16xf32>,
    tpu.vector_store %arg9[%swap3A_295], %broadcast_in_dim3A_3 {strides = array<i32>} : memref<2688xf32, #tpu.memory_space<vmem>>, vector<16xf32>,
    %swap3A_297 = arith.constant 2352 : index
    %swap3A_298 = tpu.vector_load %arg9[%swap3A_297] {strides = array<i32>} : memref<2688xf32, #tpu.memory_space<vmem>>, vector<16xf32>,
    tpu.vector_store %arg9[%swap3A_297], %broadcast_in_dim3A_3 {strides = array<i32>} : memref<2688xf32, #tpu.memory_space<vmem>>, vector<16xf32>,
    %swap3A_299 = arith.constant 2368 : index
    %swap3A_300 = tpu.vector_load %arg9[%swap3A_299] {strides = array<i32>} : memref<2688xf32, #tpu.memory_space<vmem>>, vector<16xf32>,
    tpu.vector_store %arg9[%swap3A_299], %broadcast_in_dim3A_3 {strides = array<i32>} : memref<2688xf32, #tpu.memory_space<vmem>>, vector<16xf32>,
    %swap3A_301 = arith.constant 2384 : index
    %swap3A_302 = tpu.vector_load %arg9[%swap3A_301] {strides = array<i32>} : memref<2688xf32, #tpu.memory_space<vmem>>, vector<16xf32>,
    tpu.vector_store %arg9[%swap3A_301], %broadcast_in_dim3A_3 {strides = array<i32>} : memref<2688xf32, #tpu.memory_space<vmem>>, vector<16xf32>,
    %swap3A_303 = arith.constant 2400 : index
    %swap3A_304 = tpu.vector_load %arg9[%swap3A_303] {strides = array<i32>} : memref<2688xf32, #tpu.memory_space<vmem>>, vector<16xf32>,
    tpu.vector_store %arg9[%swap3A_303], %broadcast_in_dim3A_3 {strides = array<i32>} : memref<2688xf32, #tpu.memory_space<vmem>>, vector<16xf32>,
    %swap3A_305 = arith.constant 2416 : index
    %swap3A_306 = tpu.vector_load %arg9[%swap3A_305] {strides = array<i32>} : memref<2688xf32, #tpu.memory_space<vmem>>, vector<16xf32>,
    tpu.vector_store %arg9[%swap3A_305], %broadcast_in_dim3A_3 {strides = array<i32>} : memref<2688xf32, #tpu.memory_space<vmem>>, vector<16xf32>,
    %swap3A_307 = arith.constant 2432 : index
    %swap3A_308 = tpu.vector_load %arg9[%swap3A_307] {strides = array<i32>} : memref<2688xf32, #tpu.memory_space<vmem>>, vector<16xf32>,
    tpu.vector_store %arg9[%swap3A_307], %broadcast_in_dim3A_3 {strides = array<i32>} : memref<2688xf32, #tpu.memory_space<vmem>>, vector<16xf32>,
    %swap3A_309 = arith.constant 2448 : index
    %swap3A_310 = tpu.vector_load %arg9[%swap3A_309] {strides = array<i32>} : memref<2688xf32, #tpu.memory_space<vmem>>, vector<16xf32>,
    tpu.vector_store %arg9[%swap3A_309], %broadcast_in_dim3A_3 {strides = array<i32>} : memref<2688xf32, #tpu.memory_space<vmem>>, vector<16xf32>,
    %swap3A_311 = arith.constant 2464 : index
    %swap3A_312 = tpu.vector_load %arg9[%swap3A_311] {strides = array<i32>} : memref<2688xf32, #tpu.memory_space<vmem>>, vector<16xf32>,
    tpu.vector_store %arg9[%swap3A_311], %broadcast_in_dim3A_3 {strides = array<i32>} : memref<2688xf32, #tpu.memory_space<vmem>>, vector<16xf32>,
    %swap3A_313 = arith.constant 2480 : index
    %swap3A_314 = tpu.vector_load %arg9[%swap3A_313] {strides = array<i32>} : memref<2688xf32, #tpu.memory_space<vmem>>, vector<16xf32>,
    tpu.vector_store %arg9[%swap3A_313], %broadcast_in_dim3A_3 {strides = array<i32>} : memref<2688xf32, #tpu.memory_space<vmem>>, vector<16xf32>,
    %swap3A_315 = arith.constant 2496 : index
    %swap3A_316 = tpu.vector_load %arg9[%swap3A_315] {strides = array<i32>} : memref<2688xf32, #tpu.memory_space<vmem>>, vector<16xf32>,
    tpu.vector_store %arg9[%swap3A_315], %broadcast_in_dim3A_3 {strides = array<i32>} : memref<2688xf32, #tpu.memory_space<vmem>>, vector<16xf32>,
    %swap3A_317 = arith.constant 2512 : index
    %swap3A_318 = tpu.vector_load %arg9[%swap3A_317] {strides = array<i32>} : memref<2688xf32, #tpu.memory_space<vmem>>, vector<16xf32>,
    tpu.vector_store %arg9[%swap3A_317], %broadcast_in_dim3A_3 {strides = array<i32>} : memref<2688xf32, #tpu.memory_space<vmem>>, vector<16xf32>,
    %swap3A_319 = arith.constant 2528 : index
    %swap3A_320 = tpu.vector_load %arg9[%swap3A_319] {strides = array<i32>} : memref<2688xf32, #tpu.memory_space<vmem>>, vector<16xf32>,
    tpu.vector_store %arg9[%swap3A_319], %broadcast_in_dim3A_3 {strides = array<i32>} : memref<2688xf32, #tpu.memory_space<vmem>>, vector<16xf32>,
    %swap3A_321 = arith.constant 2544 : index
    %swap3A_322 = tpu.vector_load %arg9[%swap3A_321] {strides = array<i32>} : memref<2688xf32, #tpu.memory_space<vmem>>, vector<16xf32>,
    tpu.vector_store %arg9[%swap3A_321], %broadcast_in_dim3A_3 {strides = array<i32>} : memref<2688xf32, #tpu.memory_space<vmem>>, vector<16xf32>,
    %swap3A_323 = arith.constant 2560 : index
    %swap3A_324 = tpu.vector_load %arg9[%swap3A_323] {strides = array<i32>} : memref<2688xf32, #tpu.memory_space<vmem>>, vector<16xf32>,
    tpu.vector_store %arg9[%swap3A_323], %broadcast_in_dim3A_3 {strides = array<i32>} : memref<2688xf32, #tpu.memory_space<vmem>>, vector<16xf32>,
    %swap3A_325 = arith.constant 2576 : index
    %swap3A_326 = tpu.vector_load %arg9[%swap3A_325] {strides = array<i32>} : memref<2688xf32, #tpu.memory_space<vmem>>, vector<16xf32>,
    tpu.vector_store %arg9[%swap3A_325], %broadcast_in_dim3A_3 {strides = array<i32>} : memref<2688xf32, #tpu.memory_space<vmem>>, vector<16xf32>,
    %swap3A_327 = arith.constant 2592 : index
    %swap3A_328 = tpu.vector_load %arg9[%swap3A_327] {strides = array<i32>} : memref<2688xf32, #tpu.memory_space<vmem>>, vector<16xf32>,
    tpu.vector_store %arg9[%swap3A_327], %broadcast_in_dim3A_3 {strides = array<i32>} : memref<2688xf32, #tpu.memory_space<vmem>>, vector<16xf32>,
    %swap3A_329 = arith.constant 2608 : index
    %swap3A_330 = tpu.vector_load %arg9[%swap3A_329] {strides = array<i32>} : memref<2688xf32, #tpu.memory_space<vmem>>, vector<16xf32>,
    tpu.vector_store %arg9[%swap3A_329], %broadcast_in_dim3A_3 {strides = array<i32>} : memref<2688xf32, #tpu.memory_space<vmem>>, vector<16xf32>,
    %swap3A_331 = arith.constant 2624 : index
    %swap3A_332 = tpu.vector_load %arg9[%swap3A_331] {strides = array<i32>} : memref<2688xf32, #tpu.memory_space<vmem>>, vector<16xf32>,
    tpu.vector_store %arg9[%swap3A_331], %broadcast_in_dim3A_3 {strides = array<i32>} : memref<2688xf32, #tpu.memory_space<vmem>>, vector<16xf32>,
    %swap3A_333 = arith.constant 2640 : index
    %swap3A_334 = tpu.vector_load %arg9[%swap3A_333] {strides = array<i32>} : memref<2688xf32, #tpu.memory_space<vmem>>, vector<16xf32>,
    tpu.vector_store %arg9[%swap3A_333], %broadcast_in_dim3A_3 {strides = array<i32>} : memref<2688xf32, #tpu.memory_space<vmem>>, vector<16xf32>,
    %swap3A_335 = arith.constant 2656 : index
    %swap3A_336 = tpu.vector_load %arg9[%swap3A_335] {strides = array<i32>} : memref<2688xf32, #tpu.memory_space<vmem>>, vector<16xf32>,
    tpu.vector_store %arg9[%swap3A_335], %broadcast_in_dim3A_3 {strides = array<i32>} : memref<2688xf32, #tpu.memory_space<vmem>>, vector<16xf32>,
    %swap3A_337 = arith.constant 2672 : index
    %swap3A_338 = tpu.vector_load %arg9[%swap3A_337] {strides = array<i32>} : memref<2688xf32, #tpu.memory_space<vmem>>, vector<16xf32>,
    tpu.vector_store %arg9[%swap3A_337], %broadcast_in_dim3A_3 {strides = array<i32>} : memref<2688xf32, #tpu.memory_space<vmem>>, vector<16xf32>,
    %get3A = arith.constant 0 : i32
    %get3A_339 = arith.index_cast %get3A : i32 to index
    %get3A_340 = arith.constant 0 : index
    %get3A_341 = tpu.vector_load %arg8[%get3A_339, %get3A_340] {strides = array<i32>} : memref<8x128xi32, #tpu.memory_space<vmem>>, vector<16xi32>,
    %get3A_342 = arith.constant 0 : i32
    %get3A_343 = arith.index_cast %get3A_342 : i32 to index
    %get3A_344 = arith.constant 0 : index
    %get3A_345 = tpu.vector_load %arg7[%get3A_343, %get3A_344] {strides = array<i32>} : memref<8x128xf32, #tpu.memory_space<vmem>>, vector<16xf32>,
    %gather3A = tpu.vector_load_idx %arg6[%get3A_341] : memref<16384xi32, #tpu.memory_space<vmem>>[vector<16xi32>], vector<16xi32>,
    %broadcast_in_dim3A_346 = arith.constant 0 : i32
    %broadcast_in_dim3A_347 = vector.broadcast %broadcast_in_dim3A_346 : i32 to vector<16xi32>
    %iota3A = tpu.iota {dimensions = array<i32: 0>} : vector<16xi32>
    %add3A_348 = arith.addi %broadcast_in_dim3A_347, %iota3A : vector<16xi32>
    %mul3A_349 = arith.constant 21 : i32
    %mul3A_350 = vector.broadcast %mul3A_349 : i32 to vector<16xi32>
    %mul3A_351 = arith.muli %add3A_348, %mul3A_350 : vector<16xi32>
    %add3A_352 = arith.addi %mul3A_351, %gather3A : vector<16xi32>
    tpu.vector_store_idx %arg9[%add3A_352], %get3A_345 {add = true} : memref<2688xf32, #tpu.memory_space<vmem>>[vector<16xi32>], vector<16xf32>,
    %get3A_353 = arith.constant 0 : i32
    %get3A_354 = arith.index_cast %get3A_353 : i32 to index
    %get3A_355 = arith.constant 16 : index
    %get3A_356 = tpu.vector_load %arg8[%get3A_354, %get3A_355] {strides = array<i32>} : memref<8x128xi32, #tpu.memory_space<vmem>>, vector<16xi32>,
    %get3A_357 = arith.constant 0 : i32
    %get3A_358 = arith.index_cast %get3A_357 : i32 to index
    %get3A_359 = arith.constant 16 : index
    %get3A_360 = tpu.vector_load %arg7[%get3A_358, %get3A_359] {strides = array<i32>} : memref<8x128xf32, #tpu.memory_space<vmem>>, vector<16xf32>,
    %gather3A_361 = tpu.vector_load_idx %arg6[%get3A_356] : memref<16384xi32, #tpu.memory_space<vmem>>[vector<16xi32>], vector<16xi32>,
    %broadcast_in_dim3A_362 = arith.constant 16 : i32
    %broadcast_in_dim3A_363 = vector.broadcast %broadcast_in_dim3A_362 : i32 to vector<16xi32>
    %iota3A_364 = tpu.iota {dimensions = array<i32: 0>} : vector<16xi32>
    %add3A_365 = arith.addi %broadcast_in_dim3A_363, %iota3A_364 : vector<16xi32>
    %mul3A_366 = arith.constant 21 : i32
    %mul3A_367 = vector.broadcast %mul3A_366 : i32 to vector<16xi32>
    %mul3A_368 = arith.muli %add3A_365, %mul3A_367 : vector<16xi32>
    %add3A_369 = arith.addi %mul3A_368, %gather3A_361 : vector<16xi32>
    tpu.vector_store_idx %arg9[%add3A_369], %get3A_360 {add = true} : memref<2688xf32, #tpu.memory_space<vmem>>[vector<16xi32>], vector<16xf32>,
    %get3A_370 = arith.constant 0 : i32
    %get3A_371 = arith.index_cast %get3A_370 : i32 to index
    %get3A_372 = arith.constant 32 : index
    %get3A_373 = tpu.vector_load %arg8[%get3A_371, %get3A_372] {strides = array<i32>} : memref<8x128xi32, #tpu.memory_space<vmem>>, vector<16xi32>,
    %get3A_374 = arith.constant 0 : i32
    %get3A_375 = arith.index_cast %get3A_374 : i32 to index
    %get3A_376 = arith.constant 32 : index
    %get3A_377 = tpu.vector_load %arg7[%get3A_375, %get3A_376] {strides = array<i32>} : memref<8x128xf32, #tpu.memory_space<vmem>>, vector<16xf32>,
    %gather3A_378 = tpu.vector_load_idx %arg6[%get3A_373] : memref<16384xi32, #tpu.memory_space<vmem>>[vector<16xi32>], vector<16xi32>,
    %broadcast_in_dim3A_379 = arith.constant 32 : i32
    %broadcast_in_dim3A_380 = vector.broadcast %broadcast_in_dim3A_379 : i32 to vector<16xi32>
    %iota3A_381 = tpu.iota {dimensions = array<i32: 0>} : vector<16xi32>
    %add3A_382 = arith.addi %broadcast_in_dim3A_380, %iota3A_381 : vector<16xi32>
    %mul3A_383 = arith.constant 21 : i32
    %mul3A_384 = vector.broadcast %mul3A_383 : i32 to vector<16xi32>
    %mul3A_385 = arith.muli %add3A_382, %mul3A_384 : vector<16xi32>
    %add3A_386 = arith.addi %mul3A_385, %gather3A_378 : vector<16xi32>
    tpu.vector_store_idx %arg9[%add3A_386], %get3A_377 {add = true} : memref<2688xf32, #tpu.memory_space<vmem>>[vector<16xi32>], vector<16xf32>,
    %get3A_387 = arith.constant 0 : i32
    %get3A_388 = arith.index_cast %get3A_387 : i32 to index
    %get3A_389 = arith.constant 48 : index
    %get3A_390 = tpu.vector_load %arg8[%get3A_388, %get3A_389] {strides = array<i32>} : memref<8x128xi32, #tpu.memory_space<vmem>>, vector<16xi32>,
    %get3A_391 = arith.constant 0 : i32
    %get3A_392 = arith.index_cast %get3A_391 : i32 to index
    %get3A_393 = arith.constant 48 : index
    %get3A_394 = tpu.vector_load %arg7[%get3A_392, %get3A_393] {strides = array<i32>} : memref<8x128xf32, #tpu.memory_space<vmem>>, vector<16xf32>,
    %gather3A_395 = tpu.vector_load_idx %arg6[%get3A_390] : memref<16384xi32, #tpu.memory_space<vmem>>[vector<16xi32>], vector<16xi32>,
    %broadcast_in_dim3A_396 = arith.constant 48 : i32
    %broadcast_in_dim3A_397 = vector.broadcast %broadcast_in_dim3A_396 : i32 to vector<16xi32>
    %iota3A_398 = tpu.iota {dimensions = array<i32: 0>} : vector<16xi32>
    %add3A_399 = arith.addi %broadcast_in_dim3A_397, %iota3A_398 : vector<16xi32>
    %mul3A_400 = arith.constant 21 : i32
    %mul3A_401 = vector.broadcast %mul3A_400 : i32 to vector<16xi32>
    %mul3A_402 = arith.muli %add3A_399, %mul3A_401 : vector<16xi32>
    %add3A_403 = arith.addi %mul3A_402, %gather3A_395 : vector<16xi32>
    tpu.vector_store_idx %arg9[%add3A_403], %get3A_394 {add = true} : memref<2688xf32, #tpu.memory_space<vmem>>[vector<16xi32>], vector<16xf32>,
    %get3A_404 = arith.constant 0 : i32
    %get3A_405 = arith.index_cast %get3A_404 : i32 to index
    %get3A_406 = arith.constant 64 : index
    %get3A_407 = tpu.vector_load %arg8[%get3A_405, %get3A_406] {strides = array<i32>} : memref<8x128xi32, #tpu.memory_space<vmem>>, vector<16xi32>,
    %get3A_408 = arith.constant 0 : i32
    %get3A_409 = arith.index_cast %get3A_408 : i32 to index
    %get3A_410 = arith.constant 64 : index
    %get3A_411 = tpu.vector_load %arg7[%get3A_409, %get3A_410] {strides = array<i32>} : memref<8x128xf32, #tpu.memory_space<vmem>>, vector<16xf32>,
    %gather3A_412 = tpu.vector_load_idx %arg6[%get3A_407] : memref<16384xi32, #tpu.memory_space<vmem>>[vector<16xi32>], vector<16xi32>,
    %broadcast_in_dim3A_413 = arith.constant 64 : i32
    %broadcast_in_dim3A_414 = vector.broadcast %broadcast_in_dim3A_413 : i32 to vector<16xi32>
    %iota3A_415 = tpu.iota {dimensions = array<i32: 0>} : vector<16xi32>
    %add3A_416 = arith.addi %broadcast_in_dim3A_414, %iota3A_415 : vector<16xi32>
    %mul3A_417 = arith.constant 21 : i32
    %mul3A_418 = vector.broadcast %mul3A_417 : i32 to vector<16xi32>
    %mul3A_419 = arith.muli %add3A_416, %mul3A_418 : vector<16xi32>
    %add3A_420 = arith.addi %mul3A_419, %gather3A_412 : vector<16xi32>
    tpu.vector_store_idx %arg9[%add3A_420], %get3A_411 {add = true} : memref<2688xf32, #tpu.memory_space<vmem>>[vector<16xi32>], vector<16xf32>,
    %get3A_421 = arith.constant 0 : i32
    %get3A_422 = arith.index_cast %get3A_421 : i32 to index
    %get3A_423 = arith.constant 80 : index
    %get3A_424 = tpu.vector_load %arg8[%get3A_422, %get3A_423] {strides = array<i32>} : memref<8x128xi32, #tpu.memory_space<vmem>>, vector<16xi32>,
    %get3A_425 = arith.constant 0 : i32
    %get3A_426 = arith.index_cast %get3A_425 : i32 to index
    %get3A_427 = arith.constant 80 : index
    %get3A_428 = tpu.vector_load %arg7[%get3A_426, %get3A_427] {strides = array<i32>} : memref<8x128xf32, #tpu.memory_space<vmem>>, vector<16xf32>,
    %gather3A_429 = tpu.vector_load_idx %arg6[%get3A_424] : memref<16384xi32, #tpu.memory_space<vmem>>[vector<16xi32>], vector<16xi32>,
    %broadcast_in_dim3A_430 = arith.constant 80 : i32
    %broadcast_in_dim3A_431 = vector.broadcast %broadcast_in_dim3A_430 : i32 to vector<16xi32>
    %iota3A_432 = tpu.iota {dimensions = array<i32: 0>} : vector<16xi32>
    %add3A_433 = arith.addi %broadcast_in_dim3A_431, %iota3A_432 : vector<16xi32>
    %mul3A_434 = arith.constant 21 : i32
    %mul3A_435 = vector.broadcast %mul3A_434 : i32 to vector<16xi32>
    %mul3A_436 = arith.muli %add3A_433, %mul3A_435 : vector<16xi32>
    %add3A_437 = arith.addi %mul3A_436, %gather3A_429 : vector<16xi32>
    tpu.vector_store_idx %arg9[%add3A_437], %get3A_428 {add = true} : memref<2688xf32, #tpu.memory_space<vmem>>[vector<16xi32>], vector<16xf32>,
    %get3A_438 = arith.constant 0 : i32
    %get3A_439 = arith.index_cast %get3A_438 : i32 to index
    %get3A_440 = arith.constant 96 : index
    %get3A_441 = tpu.vector_load %arg8[%get3A_439, %get3A_440] {strides = array<i32>} : memref<8x128xi32, #tpu.memory_space<vmem>>, vector<16xi32>,
    %get3A_442 = arith.constant 0 : i32
    %get3A_443 = arith.index_cast %get3A_442 : i32 to index
    %get3A_444 = arith.constant 96 : index
    %get3A_445 = tpu.vector_load %arg7[%get3A_443, %get3A_444] {strides = array<i32>} : memref<8x128xf32, #tpu.memory_space<vmem>>, vector<16xf32>,
    %gather3A_446 = tpu.vector_load_idx %arg6[%get3A_441] : memref<16384xi32, #tpu.memory_space<vmem>>[vector<16xi32>], vector<16xi32>,
    %broadcast_in_dim3A_447 = arith.constant 96 : i32
    %broadcast_in_dim3A_448 = vector.broadcast %broadcast_in_dim3A_447 : i32 to vector<16xi32>
    %iota3A_449 = tpu.iota {dimensions = array<i32: 0>} : vector<16xi32>
    %add3A_450 = arith.addi %broadcast_in_dim3A_448, %iota3A_449 : vector<16xi32>
    %mul3A_451 = arith.constant 21 : i32
    %mul3A_452 = vector.broadcast %mul3A_451 : i32 to vector<16xi32>
    %mul3A_453 = arith.muli %add3A_450, %mul3A_452 : vector<16xi32>
    %add3A_454 = arith.addi %mul3A_453, %gather3A_446 : vector<16xi32>
    tpu.vector_store_idx %arg9[%add3A_454], %get3A_445 {add = true} : memref<2688xf32, #tpu.memory_space<vmem>>[vector<16xi32>], vector<16xf32>,
    %get3A_455 = arith.constant 0 : i32
    %get3A_456 = arith.index_cast %get3A_455 : i32 to index
    %get3A_457 = arith.constant 112 : index
    %get3A_458 = tpu.vector_load %arg8[%get3A_456, %get3A_457] {strides = array<i32>} : memref<8x128xi32, #tpu.memory_space<vmem>>, vector<16xi32>,
    %get3A_459 = arith.constant 0 : i32
    %get3A_460 = arith.index_cast %get3A_459 : i32 to index
    %get3A_461 = arith.constant 112 : index
    %get3A_462 = tpu.vector_load %arg7[%get3A_460, %get3A_461] {strides = array<i32>} : memref<8x128xf32, #tpu.memory_space<vmem>>, vector<16xf32>,
    %gather3A_463 = tpu.vector_load_idx %arg6[%get3A_458] : memref<16384xi32, #tpu.memory_space<vmem>>[vector<16xi32>], vector<16xi32>,
    %broadcast_in_dim3A_464 = arith.constant 112 : i32
    %broadcast_in_dim3A_465 = vector.broadcast %broadcast_in_dim3A_464 : i32 to vector<16xi32>
    %iota3A_466 = tpu.iota {dimensions = array<i32: 0>} : vector<16xi32>
    %add3A_467 = arith.addi %broadcast_in_dim3A_465, %iota3A_466 : vector<16xi32>
    %mul3A_468 = arith.constant 21 : i32
    %mul3A_469 = vector.broadcast %mul3A_468 : i32 to vector<16xi32>
    %mul3A_470 = arith.muli %add3A_467, %mul3A_469 : vector<16xi32>
    %add3A_471 = arith.addi %mul3A_470, %gather3A_463 : vector<16xi32>
    tpu.vector_store_idx %arg9[%add3A_471], %get3A_462 {add = true} : memref<2688xf32, #tpu.memory_space<vmem>>[vector<16xi32>], vector<16xf32>,
    %get3A_472 = arith.constant 1 : i32
    %get3A_473 = arith.index_cast %get3A_472 : i32 to index
    %get3A_474 = arith.constant 0 : index
    %get3A_475 = tpu.vector_load %arg8[%get3A_473, %get3A_474] {strides = array<i32>} : memref<8x128xi32, #tpu.memory_space<vmem>>, vector<16xi32>,
    %get3A_476 = arith.constant 1 : i32
    %get3A_477 = arith.index_cast %get3A_476 : i32 to index
    %get3A_478 = arith.constant 0 : index
    %get3A_479 = tpu.vector_load %arg7[%get3A_477, %get3A_478] {strides = array<i32>} : memref<8x128xf32, #tpu.memory_space<vmem>>, vector<16xf32>,
    %gather3A_480 = tpu.vector_load_idx %arg6[%get3A_475] : memref<16384xi32, #tpu.memory_space<vmem>>[vector<16xi32>], vector<16xi32>,
    %broadcast_in_dim3A_481 = arith.constant 0 : i32
    %broadcast_in_dim3A_482 = vector.broadcast %broadcast_in_dim3A_481 : i32 to vector<16xi32>
    %iota3A_483 = tpu.iota {dimensions = array<i32: 0>} : vector<16xi32>
    %add3A_484 = arith.addi %broadcast_in_dim3A_482, %iota3A_483 : vector<16xi32>
    %mul3A_485 = arith.constant 21 : i32
    %mul3A_486 = vector.broadcast %mul3A_485 : i32 to vector<16xi32>
    %mul3A_487 = arith.muli %add3A_484, %mul3A_486 : vector<16xi32>
    %add3A_488 = arith.addi %mul3A_487, %gather3A_480 : vector<16xi32>
    tpu.vector_store_idx %arg9[%add3A_488], %get3A_479 {add = true} : memref<2688xf32, #tpu.memory_space<vmem>>[vector<16xi32>], vector<16xf32>,
    %get3A_489 = arith.constant 1 : i32
    %get3A_490 = arith.index_cast %get3A_489 : i32 to index
    %get3A_491 = arith.constant 16 : index
    %get3A_492 = tpu.vector_load %arg8[%get3A_490, %get3A_491] {strides = array<i32>} : memref<8x128xi32, #tpu.memory_space<vmem>>, vector<16xi32>,
    %get3A_493 = arith.constant 1 : i32
    %get3A_494 = arith.index_cast %get3A_493 : i32 to index
    %get3A_495 = arith.constant 16 : index
    %get3A_496 = tpu.vector_load %arg7[%get3A_494, %get3A_495] {strides = array<i32>} : memref<8x128xf32, #tpu.memory_space<vmem>>, vector<16xf32>,
    %gather3A_497 = tpu.vector_load_idx %arg6[%get3A_492] : memref<16384xi32, #tpu.memory_space<vmem>>[vector<16xi32>], vector<16xi32>,
    %broadcast_in_dim3A_498 = arith.constant 16 : i32
    %broadcast_in_dim3A_499 = vector.broadcast %broadcast_in_dim3A_498 : i32 to vector<16xi32>
    %iota3A_500 = tpu.iota {dimensions = array<i32: 0>} : vector<16xi32>
    %add3A_501 = arith.addi %broadcast_in_dim3A_499, %iota3A_500 : vector<16xi32>
    %mul3A_502 = arith.constant 21 : i32
    %mul3A_503 = vector.broadcast %mul3A_502 : i32 to vector<16xi32>
    %mul3A_504 = arith.muli %add3A_501, %mul3A_503 : vector<16xi32>
    %add3A_505 = arith.addi %mul3A_504, %gather3A_497 : vector<16xi32>
    tpu.vector_store_idx %arg9[%add3A_505], %get3A_496 {add = true} : memref<2688xf32, #tpu.memory_space<vmem>>[vector<16xi32>], vector<16xf32>,
    %get3A_506 = arith.constant 1 : i32
    %get3A_507 = arith.index_cast %get3A_506 : i32 to index
    %get3A_508 = arith.constant 32 : index
    %get3A_509 = tpu.vector_load %arg8[%get3A_507, %get3A_508] {strides = array<i32>} : memref<8x128xi32, #tpu.memory_space<vmem>>, vector<16xi32>,
    %get3A_510 = arith.constant 1 : i32
    %get3A_511 = arith.index_cast %get3A_510 : i32 to index
    %get3A_512 = arith.constant 32 : index
    %get3A_513 = tpu.vector_load %arg7[%get3A_511, %get3A_512] {strides = array<i32>} : memref<8x128xf32, #tpu.memory_space<vmem>>, vector<16xf32>,
    %gather3A_514 = tpu.vector_load_idx %arg6[%get3A_509] : memref<16384xi32, #tpu.memory_space<vmem>>[vector<16xi32>], vector<16xi32>,
    %broadcast_in_dim3A_515 = arith.constant 32 : i32
    %broadcast_in_dim3A_516 = vector.broadcast %broadcast_in_dim3A_515 : i32 to vector<16xi32>
    %iota3A_517 = tpu.iota {dimensions = array<i32: 0>} : vector<16xi32>
    %add3A_518 = arith.addi %broadcast_in_dim3A_516, %iota3A_517 : vector<16xi32>
    %mul3A_519 = arith.constant 21 : i32
    %mul3A_520 = vector.broadcast %mul3A_519 : i32 to vector<16xi32>
    %mul3A_521 = arith.muli %add3A_518, %mul3A_520 : vector<16xi32>
    %add3A_522 = arith.addi %mul3A_521, %gather3A_514 : vector<16xi32>
    tpu.vector_store_idx %arg9[%add3A_522], %get3A_513 {add = true} : memref<2688xf32, #tpu.memory_space<vmem>>[vector<16xi32>], vector<16xf32>,
    %get3A_523 = arith.constant 1 : i32
    %get3A_524 = arith.index_cast %get3A_523 : i32 to index
    %get3A_525 = arith.constant 48 : index
    %get3A_526 = tpu.vector_load %arg8[%get3A_524, %get3A_525] {strides = array<i32>} : memref<8x128xi32, #tpu.memory_space<vmem>>, vector<16xi32>,
    %get3A_527 = arith.constant 1 : i32
    %get3A_528 = arith.index_cast %get3A_527 : i32 to index
    %get3A_529 = arith.constant 48 : index
    %get3A_530 = tpu.vector_load %arg7[%get3A_528, %get3A_529] {strides = array<i32>} : memref<8x128xf32, #tpu.memory_space<vmem>>, vector<16xf32>,
    %gather3A_531 = tpu.vector_load_idx %arg6[%get3A_526] : memref<16384xi32, #tpu.memory_space<vmem>>[vector<16xi32>], vector<16xi32>,
    %broadcast_in_dim3A_532 = arith.constant 48 : i32
    %broadcast_in_dim3A_533 = vector.broadcast %broadcast_in_dim3A_532 : i32 to vector<16xi32>
    %iota3A_534 = tpu.iota {dimensions = array<i32: 0>} : vector<16xi32>
    %add3A_535 = arith.addi %broadcast_in_dim3A_533, %iota3A_534 : vector<16xi32>
    %mul3A_536 = arith.constant 21 : i32
    %mul3A_537 = vector.broadcast %mul3A_536 : i32 to vector<16xi32>
    %mul3A_538 = arith.muli %add3A_535, %mul3A_537 : vector<16xi32>
    %add3A_539 = arith.addi %mul3A_538, %gather3A_531 : vector<16xi32>
    tpu.vector_store_idx %arg9[%add3A_539], %get3A_530 {add = true} : memref<2688xf32, #tpu.memory_space<vmem>>[vector<16xi32>], vector<16xf32>,
    %get3A_540 = arith.constant 1 : i32
    %get3A_541 = arith.index_cast %get3A_540 : i32 to index
    %get3A_542 = arith.constant 64 : index
    %get3A_543 = tpu.vector_load %arg8[%get3A_541, %get3A_542] {strides = array<i32>} : memref<8x128xi32, #tpu.memory_space<vmem>>, vector<16xi32>,
    %get3A_544 = arith.constant 1 : i32
    %get3A_545 = arith.index_cast %get3A_544 : i32 to index
    %get3A_546 = arith.constant 64 : index
    %get3A_547 = tpu.vector_load %arg7[%get3A_545, %get3A_546] {strides = array<i32>} : memref<8x128xf32, #tpu.memory_space<vmem>>, vector<16xf32>,
    %gather3A_548 = tpu.vector_load_idx %arg6[%get3A_543] : memref<16384xi32, #tpu.memory_space<vmem>>[vector<16xi32>], vector<16xi32>,
    %broadcast_in_dim3A_549 = arith.constant 64 : i32
    %broadcast_in_dim3A_550 = vector.broadcast %broadcast_in_dim3A_549 : i32 to vector<16xi32>
    %iota3A_551 = tpu.iota {dimensions = array<i32: 0>} : vector<16xi32>
    %add3A_552 = arith.addi %broadcast_in_dim3A_550, %iota3A_551 : vector<16xi32>
    %mul3A_553 = arith.constant 21 : i32
    %mul3A_554 = vector.broadcast %mul3A_553 : i32 to vector<16xi32>
    %mul3A_555 = arith.muli %add3A_552, %mul3A_554 : vector<16xi32>
    %add3A_556 = arith.addi %mul3A_555, %gather3A_548 : vector<16xi32>
    tpu.vector_store_idx %arg9[%add3A_556], %get3A_547 {add = true} : memref<2688xf32, #tpu.memory_space<vmem>>[vector<16xi32>], vector<16xf32>,
    %get3A_557 = arith.constant 1 : i32
    %get3A_558 = arith.index_cast %get3A_557 : i32 to index
    %get3A_559 = arith.constant 80 : index
    %get3A_560 = tpu.vector_load %arg8[%get3A_558, %get3A_559] {strides = array<i32>} : memref<8x128xi32, #tpu.memory_space<vmem>>, vector<16xi32>,
    %get3A_561 = arith.constant 1 : i32
    %get3A_562 = arith.index_cast %get3A_561 : i32 to index
    %get3A_563 = arith.constant 80 : index
    %get3A_564 = tpu.vector_load %arg7[%get3A_562, %get3A_563] {strides = array<i32>} : memref<8x128xf32, #tpu.memory_space<vmem>>, vector<16xf32>,
    %gather3A_565 = tpu.vector_load_idx %arg6[%get3A_560] : memref<16384xi32, #tpu.memory_space<vmem>>[vector<16xi32>], vector<16xi32>,
    %broadcast_in_dim3A_566 = arith.constant 80 : i32
    %broadcast_in_dim3A_567 = vector.broadcast %broadcast_in_dim3A_566 : i32 to vector<16xi32>
    %iota3A_568 = tpu.iota {dimensions = array<i32: 0>} : vector<16xi32>
    %add3A_569 = arith.addi %broadcast_in_dim3A_567, %iota3A_568 : vector<16xi32>
    %mul3A_570 = arith.constant 21 : i32
    %mul3A_571 = vector.broadcast %mul3A_570 : i32 to vector<16xi32>
    %mul3A_572 = arith.muli %add3A_569, %mul3A_571 : vector<16xi32>
    %add3A_573 = arith.addi %mul3A_572, %gather3A_565 : vector<16xi32>
    tpu.vector_store_idx %arg9[%add3A_573], %get3A_564 {add = true} : memref<2688xf32, #tpu.memory_space<vmem>>[vector<16xi32>], vector<16xf32>,
    %get3A_574 = arith.constant 1 : i32
    %get3A_575 = arith.index_cast %get3A_574 : i32 to index
    %get3A_576 = arith.constant 96 : index
    %get3A_577 = tpu.vector_load %arg8[%get3A_575, %get3A_576] {strides = array<i32>} : memref<8x128xi32, #tpu.memory_space<vmem>>, vector<16xi32>,
    %get3A_578 = arith.constant 1 : i32
    %get3A_579 = arith.index_cast %get3A_578 : i32 to index
    %get3A_580 = arith.constant 96 : index
    %get3A_581 = tpu.vector_load %arg7[%get3A_579, %get3A_580] {strides = array<i32>} : memref<8x128xf32, #tpu.memory_space<vmem>>, vector<16xf32>,
    %gather3A_582 = tpu.vector_load_idx %arg6[%get3A_577] : memref<16384xi32, #tpu.memory_space<vmem>>[vector<16xi32>], vector<16xi32>,
    %broadcast_in_dim3A_583 = arith.constant 96 : i32
    %broadcast_in_dim3A_584 = vector.broadcast %broadcast_in_dim3A_583 : i32 to vector<16xi32>
    %iota3A_585 = tpu.iota {dimensions = array<i32: 0>} : vector<16xi32>
    %add3A_586 = arith.addi %broadcast_in_dim3A_584, %iota3A_585 : vector<16xi32>
    %mul3A_587 = arith.constant 21 : i32
    %mul3A_588 = vector.broadcast %mul3A_587 : i32 to vector<16xi32>
    %mul3A_589 = arith.muli %add3A_586, %mul3A_588 : vector<16xi32>
    %add3A_590 = arith.addi %mul3A_589, %gather3A_582 : vector<16xi32>
    tpu.vector_store_idx %arg9[%add3A_590], %get3A_581 {add = true} : memref<2688xf32, #tpu.memory_space<vmem>>[vector<16xi32>], vector<16xf32>,
    %get3A_591 = arith.constant 1 : i32
    %get3A_592 = arith.index_cast %get3A_591 : i32 to index
    %get3A_593 = arith.constant 112 : index
    %get3A_594 = tpu.vector_load %arg8[%get3A_592, %get3A_593] {strides = array<i32>} : memref<8x128xi32, #tpu.memory_space<vmem>>, vector<16xi32>,
    %get3A_595 = arith.constant 1 : i32
    %get3A_596 = arith.index_cast %get3A_595 : i32 to index
    %get3A_597 = arith.constant 112 : index
    %get3A_598 = tpu.vector_load %arg7[%get3A_596, %get3A_597] {strides = array<i32>} : memref<8x128xf32, #tpu.memory_space<vmem>>, vector<16xf32>,
    %gather3A_599 = tpu.vector_load_idx %arg6[%get3A_594] : memref<16384xi32, #tpu.memory_space<vmem>>[vector<16xi32>], vector<16xi32>,
    %broadcast_in_dim3A_600 = arith.constant 112 : i32
    %broadcast_in_dim3A_601 = vector.broadcast %broadcast_in_dim3A_600 : i32 to vector<16xi32>
    %iota3A_602 = tpu.iota {dimensions = array<i32: 0>} : vector<16xi32>
    %add3A_603 = arith.addi %broadcast_in_dim3A_601, %iota3A_602 : vector<16xi32>
    %mul3A_604 = arith.constant 21 : i32
    %mul3A_605 = vector.broadcast %mul3A_604 : i32 to vector<16xi32>
    %mul3A_606 = arith.muli %add3A_603, %mul3A_605 : vector<16xi32>
    %add3A_607 = arith.addi %mul3A_606, %gather3A_599 : vector<16xi32>
    tpu.vector_store_idx %arg9[%add3A_607], %get3A_598 {add = true} : memref<2688xf32, #tpu.memory_space<vmem>>[vector<16xi32>], vector<16xf32>,
    %get3A_608 = arith.constant 2 : i32
    %get3A_609 = arith.index_cast %get3A_608 : i32 to index
    %get3A_610 = arith.constant 0 : index
    %get3A_611 = tpu.vector_load %arg8[%get3A_609, %get3A_610] {strides = array<i32>} : memref<8x128xi32, #tpu.memory_space<vmem>>, vector<16xi32>,
    %get3A_612 = arith.constant 2 : i32
    %get3A_613 = arith.index_cast %get3A_612 : i32 to index
    %get3A_614 = arith.constant 0 : index
    %get3A_615 = tpu.vector_load %arg7[%get3A_613, %get3A_614] {strides = array<i32>} : memref<8x128xf32, #tpu.memory_space<vmem>>, vector<16xf32>,
    %gather3A_616 = tpu.vector_load_idx %arg6[%get3A_611] : memref<16384xi32, #tpu.memory_space<vmem>>[vector<16xi32>], vector<16xi32>,
    %broadcast_in_dim3A_617 = arith.constant 0 : i32
    %broadcast_in_dim3A_618 = vector.broadcast %broadcast_in_dim3A_617 : i32 to vector<16xi32>
    %iota3A_619 = tpu.iota {dimensions = array<i32: 0>} : vector<16xi32>
    %add3A_620 = arith.addi %broadcast_in_dim3A_618, %iota3A_619 : vector<16xi32>
    %mul3A_621 = arith.constant 21 : i32
    %mul3A_622 = vector.broadcast %mul3A_621 : i32 to vector<16xi32>
    %mul3A_623 = arith.muli %add3A_620, %mul3A_622 : vector<16xi32>
    %add3A_624 = arith.addi %mul3A_623, %gather3A_616 : vector<16xi32>
    tpu.vector_store_idx %arg9[%add3A_624], %get3A_615 {add = true} : memref<2688xf32, #tpu.memory_space<vmem>>[vector<16xi32>], vector<16xf32>,
    %get3A_625 = arith.constant 2 : i32
    %get3A_626 = arith.index_cast %get3A_625 : i32 to index
    %get3A_627 = arith.constant 16 : index
    %get3A_628 = tpu.vector_load %arg8[%get3A_626, %get3A_627] {strides = array<i32>} : memref<8x128xi32, #tpu.memory_space<vmem>>, vector<16xi32>,
    %get3A_629 = arith.constant 2 : i32
    %get3A_630 = arith.index_cast %get3A_629 : i32 to index
    %get3A_631 = arith.constant 16 : index
    %get3A_632 = tpu.vector_load %arg7[%get3A_630, %get3A_631] {strides = array<i32>} : memref<8x128xf32, #tpu.memory_space<vmem>>, vector<16xf32>,
    %gather3A_633 = tpu.vector_load_idx %arg6[%get3A_628] : memref<16384xi32, #tpu.memory_space<vmem>>[vector<16xi32>], vector<16xi32>,
    %broadcast_in_dim3A_634 = arith.constant 16 : i32
    %broadcast_in_dim3A_635 = vector.broadcast %broadcast_in_dim3A_634 : i32 to vector<16xi32>
    %iota3A_636 = tpu.iota {dimensions = array<i32: 0>} : vector<16xi32>
    %add3A_637 = arith.addi %broadcast_in_dim3A_635, %iota3A_636 : vector<16xi32>
    %mul3A_638 = arith.constant 21 : i32
    %mul3A_639 = vector.broadcast %mul3A_638 : i32 to vector<16xi32>
    %mul3A_640 = arith.muli %add3A_637, %mul3A_639 : vector<16xi32>
    %add3A_641 = arith.addi %mul3A_640, %gather3A_633 : vector<16xi32>
    tpu.vector_store_idx %arg9[%add3A_641], %get3A_632 {add = true} : memref<2688xf32, #tpu.memory_space<vmem>>[vector<16xi32>], vector<16xf32>,
    %get3A_642 = arith.constant 2 : i32
    %get3A_643 = arith.index_cast %get3A_642 : i32 to index
    %get3A_644 = arith.constant 32 : index
    %get3A_645 = tpu.vector_load %arg8[%get3A_643, %get3A_644] {strides = array<i32>} : memref<8x128xi32, #tpu.memory_space<vmem>>, vector<16xi32>,
    %get3A_646 = arith.constant 2 : i32
    %get3A_647 = arith.index_cast %get3A_646 : i32 to index
    %get3A_648 = arith.constant 32 : index
    %get3A_649 = tpu.vector_load %arg7[%get3A_647, %get3A_648] {strides = array<i32>} : memref<8x128xf32, #tpu.memory_space<vmem>>, vector<16xf32>,
    %gather3A_650 = tpu.vector_load_idx %arg6[%get3A_645] : memref<16384xi32, #tpu.memory_space<vmem>>[vector<16xi32>], vector<16xi32>,
    %broadcast_in_dim3A_651 = arith.constant 32 : i32
    %broadcast_in_dim3A_652 = vector.broadcast %broadcast_in_dim3A_651 : i32 to vector<16xi32>
    %iota3A_653 = tpu.iota {dimensions = array<i32: 0>} : vector<16xi32>
    %add3A_654 = arith.addi %broadcast_in_dim3A_652, %iota3A_653 : vector<16xi32>
    %mul3A_655 = arith.constant 21 : i32
    %mul3A_656 = vector.broadcast %mul3A_655 : i32 to vector<16xi32>
    %mul3A_657 = arith.muli %add3A_654, %mul3A_656 : vector<16xi32>
    %add3A_658 = arith.addi %mul3A_657, %gather3A_650 : vector<16xi32>
    tpu.vector_store_idx %arg9[%add3A_658], %get3A_649 {add = true} : memref<2688xf32, #tpu.memory_space<vmem>>[vector<16xi32>], vector<16xf32>,
    %get3A_659 = arith.constant 2 : i32
    %get3A_660 = arith.index_cast %get3A_659 : i32 to index
    %get3A_661 = arith.constant 48 : index
    %get3A_662 = tpu.vector_load %arg8[%get3A_660, %get3A_661] {strides = array<i32>} : memref<8x128xi32, #tpu.memory_space<vmem>>, vector<16xi32>,
    %get3A_663 = arith.constant 2 : i32
    %get3A_664 = arith.index_cast %get3A_663 : i32 to index
    %get3A_665 = arith.constant 48 : index
    %get3A_666 = tpu.vector_load %arg7[%get3A_664, %get3A_665] {strides = array<i32>} : memref<8x128xf32, #tpu.memory_space<vmem>>, vector<16xf32>,
    %gather3A_667 = tpu.vector_load_idx %arg6[%get3A_662] : memref<16384xi32, #tpu.memory_space<vmem>>[vector<16xi32>], vector<16xi32>,
    %broadcast_in_dim3A_668 = arith.constant 48 : i32
    %broadcast_in_dim3A_669 = vector.broadcast %broadcast_in_dim3A_668 : i32 to vector<16xi32>
    %iota3A_670 = tpu.iota {dimensions = array<i32: 0>} : vector<16xi32>
    %add3A_671 = arith.addi %broadcast_in_dim3A_669, %iota3A_670 : vector<16xi32>
    %mul3A_672 = arith.constant 21 : i32
    %mul3A_673 = vector.broadcast %mul3A_672 : i32 to vector<16xi32>
    %mul3A_674 = arith.muli %add3A_671, %mul3A_673 : vector<16xi32>
    %add3A_675 = arith.addi %mul3A_674, %gather3A_667 : vector<16xi32>
    tpu.vector_store_idx %arg9[%add3A_675], %get3A_666 {add = true} : memref<2688xf32, #tpu.memory_space<vmem>>[vector<16xi32>], vector<16xf32>,
    %get3A_676 = arith.constant 2 : i32
    %get3A_677 = arith.index_cast %get3A_676 : i32 to index
    %get3A_678 = arith.constant 64 : index
    %get3A_679 = tpu.vector_load %arg8[%get3A_677, %get3A_678] {strides = array<i32>} : memref<8x128xi32, #tpu.memory_space<vmem>>, vector<16xi32>,
    %get3A_680 = arith.constant 2 : i32
    %get3A_681 = arith.index_cast %get3A_680 : i32 to index
    %get3A_682 = arith.constant 64 : index
    %get3A_683 = tpu.vector_load %arg7[%get3A_681, %get3A_682] {strides = array<i32>} : memref<8x128xf32, #tpu.memory_space<vmem>>, vector<16xf32>,
    %gather3A_684 = tpu.vector_load_idx %arg6[%get3A_679] : memref<16384xi32, #tpu.memory_space<vmem>>[vector<16xi32>], vector<16xi32>,
    %broadcast_in_dim3A_685 = arith.constant 64 : i32
    %broadcast_in_dim3A_686 = vector.broadcast %broadcast_in_dim3A_685 : i32 to vector<16xi32>
    %iota3A_687 = tpu.iota {dimensions = array<i32: 0>} : vector<16xi32>
    %add3A_688 = arith.addi %broadcast_in_dim3A_686, %iota3A_687 : vector<16xi32>
    %mul3A_689 = arith.constant 21 : i32
    %mul3A_690 = vector.broadcast %mul3A_689 : i32 to vector<16xi32>
    %mul3A_691 = arith.muli %add3A_688, %mul3A_690 : vector<16xi32>
    %add3A_692 = arith.addi %mul3A_691, %gather3A_684 : vector<16xi32>
    tpu.vector_store_idx %arg9[%add3A_692], %get3A_683 {add = true} : memref<2688xf32, #tpu.memory_space<vmem>>[vector<16xi32>], vector<16xf32>,
    %get3A_693 = arith.constant 2 : i32
    %get3A_694 = arith.index_cast %get3A_693 : i32 to index
    %get3A_695 = arith.constant 80 : index
    %get3A_696 = tpu.vector_load %arg8[%get3A_694, %get3A_695] {strides = array<i32>} : memref<8x128xi32, #tpu.memory_space<vmem>>, vector<16xi32>,
    %get3A_697 = arith.constant 2 : i32
    %get3A_698 = arith.index_cast %get3A_697 : i32 to index
    %get3A_699 = arith.constant 80 : index
    %get3A_700 = tpu.vector_load %arg7[%get3A_698, %get3A_699] {strides = array<i32>} : memref<8x128xf32, #tpu.memory_space<vmem>>, vector<16xf32>,
    %gather3A_701 = tpu.vector_load_idx %arg6[%get3A_696] : memref<16384xi32, #tpu.memory_space<vmem>>[vector<16xi32>], vector<16xi32>,
    %broadcast_in_dim3A_702 = arith.constant 80 : i32
    %broadcast_in_dim3A_703 = vector.broadcast %broadcast_in_dim3A_702 : i32 to vector<16xi32>
    %iota3A_704 = tpu.iota {dimensions = array<i32: 0>} : vector<16xi32>
    %add3A_705 = arith.addi %broadcast_in_dim3A_703, %iota3A_704 : vector<16xi32>
    %mul3A_706 = arith.constant 21 : i32
    %mul3A_707 = vector.broadcast %mul3A_706 : i32 to vector<16xi32>
    %mul3A_708 = arith.muli %add3A_705, %mul3A_707 : vector<16xi32>
    %add3A_709 = arith.addi %mul3A_708, %gather3A_701 : vector<16xi32>
    tpu.vector_store_idx %arg9[%add3A_709], %get3A_700 {add = true} : memref<2688xf32, #tpu.memory_space<vmem>>[vector<16xi32>], vector<16xf32>,
    %get3A_710 = arith.constant 2 : i32
    %get3A_711 = arith.index_cast %get3A_710 : i32 to index
    %get3A_712 = arith.constant 96 : index
    %get3A_713 = tpu.vector_load %arg8[%get3A_711, %get3A_712] {strides = array<i32>} : memref<8x128xi32, #tpu.memory_space<vmem>>, vector<16xi32>,
    %get3A_714 = arith.constant 2 : i32
    %get3A_715 = arith.index_cast %get3A_714 : i32 to index
    %get3A_716 = arith.constant 96 : index
    %get3A_717 = tpu.vector_load %arg7[%get3A_715, %get3A_716] {strides = array<i32>} : memref<8x128xf32, #tpu.memory_space<vmem>>, vector<16xf32>,
    %gather3A_718 = tpu.vector_load_idx %arg6[%get3A_713] : memref<16384xi32, #tpu.memory_space<vmem>>[vector<16xi32>], vector<16xi32>,
    %broadcast_in_dim3A_719 = arith.constant 96 : i32
    %broadcast_in_dim3A_720 = vector.broadcast %broadcast_in_dim3A_719 : i32 to vector<16xi32>
    %iota3A_721 = tpu.iota {dimensions = array<i32: 0>} : vector<16xi32>
    %add3A_722 = arith.addi %broadcast_in_dim3A_720, %iota3A_721 : vector<16xi32>
    %mul3A_723 = arith.constant 21 : i32
    %mul3A_724 = vector.broadcast %mul3A_723 : i32 to vector<16xi32>
    %mul3A_725 = arith.muli %add3A_722, %mul3A_724 : vector<16xi32>
    %add3A_726 = arith.addi %mul3A_725, %gather3A_718 : vector<16xi32>
    tpu.vector_store_idx %arg9[%add3A_726], %get3A_717 {add = true} : memref<2688xf32, #tpu.memory_space<vmem>>[vector<16xi32>], vector<16xf32>,
    %get3A_727 = arith.constant 2 : i32
    %get3A_728 = arith.index_cast %get3A_727 : i32 to index
    %get3A_729 = arith.constant 112 : index
    %get3A_730 = tpu.vector_load %arg8[%get3A_728, %get3A_729] {strides = array<i32>} : memref<8x128xi32, #tpu.memory_space<vmem>>, vector<16xi32>,
    %get3A_731 = arith.constant 2 : i32
    %get3A_732 = arith.index_cast %get3A_731 : i32 to index
    %get3A_733 = arith.constant 112 : index
    %get3A_734 = tpu.vector_load %arg7[%get3A_732, %get3A_733] {strides = array<i32>} : memref<8x128xf32, #tpu.memory_space<vmem>>, vector<16xf32>,
    %gather3A_735 = tpu.vector_load_idx %arg6[%get3A_730] : memref<16384xi32, #tpu.memory_space<vmem>>[vector<16xi32>], vector<16xi32>,
    %broadcast_in_dim3A_736 = arith.constant 112 : i32
    %broadcast_in_dim3A_737 = vector.broadcast %broadcast_in_dim3A_736 : i32 to vector<16xi32>
    %iota3A_738 = tpu.iota {dimensions = array<i32: 0>} : vector<16xi32>
    %add3A_739 = arith.addi %broadcast_in_dim3A_737, %iota3A_738 : vector<16xi32>
    %mul3A_740 = arith.constant 21 : i32
    %mul3A_741 = vector.broadcast %mul3A_740 : i32 to vector<16xi32>
    %mul3A_742 = arith.muli %add3A_739, %mul3A_741 : vector<16xi32>
    %add3A_743 = arith.addi %mul3A_742, %gather3A_735 : vector<16xi32>
    tpu.vector_store_idx %arg9[%add3A_743], %get3A_734 {add = true} : memref<2688xf32, #tpu.memory_space<vmem>>[vector<16xi32>], vector<16xf32>,
    %get3A_744 = arith.constant 3 : i32
    %get3A_745 = arith.index_cast %get3A_744 : i32 to index
    %get3A_746 = arith.constant 0 : index
    %get3A_747 = tpu.vector_load %arg8[%get3A_745, %get3A_746] {strides = array<i32>} : memref<8x128xi32, #tpu.memory_space<vmem>>, vector<16xi32>,
    %get3A_748 = arith.constant 3 : i32
    %get3A_749 = arith.index_cast %get3A_748 : i32 to index
    %get3A_750 = arith.constant 0 : index
    %get3A_751 = tpu.vector_load %arg7[%get3A_749, %get3A_750] {strides = array<i32>} : memref<8x128xf32, #tpu.memory_space<vmem>>, vector<16xf32>,
    %gather3A_752 = tpu.vector_load_idx %arg6[%get3A_747] : memref<16384xi32, #tpu.memory_space<vmem>>[vector<16xi32>], vector<16xi32>,
    %broadcast_in_dim3A_753 = arith.constant 0 : i32
    %broadcast_in_dim3A_754 = vector.broadcast %broadcast_in_dim3A_753 : i32 to vector<16xi32>
    %iota3A_755 = tpu.iota {dimensions = array<i32: 0>} : vector<16xi32>
    %add3A_756 = arith.addi %broadcast_in_dim3A_754, %iota3A_755 : vector<16xi32>
    %mul3A_757 = arith.constant 21 : i32
    %mul3A_758 = vector.broadcast %mul3A_757 : i32 to vector<16xi32>
    %mul3A_759 = arith.muli %add3A_756, %mul3A_758 : vector<16xi32>
    %add3A_760 = arith.addi %mul3A_759, %gather3A_752 : vector<16xi32>
    tpu.vector_store_idx %arg9[%add3A_760], %get3A_751 {add = true} : memref<2688xf32, #tpu.memory_space<vmem>>[vector<16xi32>], vector<16xf32>,
    %get3A_761 = arith.constant 3 : i32
    %get3A_762 = arith.index_cast %get3A_761 : i32 to index
    %get3A_763 = arith.constant 16 : index
    %get3A_764 = tpu.vector_load %arg8[%get3A_762, %get3A_763] {strides = array<i32>} : memref<8x128xi32, #tpu.memory_space<vmem>>, vector<16xi32>,
    %get3A_765 = arith.constant 3 : i32
    %get3A_766 = arith.index_cast %get3A_765 : i32 to index
    %get3A_767 = arith.constant 16 : index
    %get3A_768 = tpu.vector_load %arg7[%get3A_766, %get3A_767] {strides = array<i32>} : memref<8x128xf32, #tpu.memory_space<vmem>>, vector<16xf32>,
    %gather3A_769 = tpu.vector_load_idx %arg6[%get3A_764] : memref<16384xi32, #tpu.memory_space<vmem>>[vector<16xi32>], vector<16xi32>,
    %broadcast_in_dim3A_770 = arith.constant 16 : i32
    %broadcast_in_dim3A_771 = vector.broadcast %broadcast_in_dim3A_770 : i32 to vector<16xi32>
    %iota3A_772 = tpu.iota {dimensions = array<i32: 0>} : vector<16xi32>
    %add3A_773 = arith.addi %broadcast_in_dim3A_771, %iota3A_772 : vector<16xi32>
    %mul3A_774 = arith.constant 21 : i32
    %mul3A_775 = vector.broadcast %mul3A_774 : i32 to vector<16xi32>
    %mul3A_776 = arith.muli %add3A_773, %mul3A_775 : vector<16xi32>
    %add3A_777 = arith.addi %mul3A_776, %gather3A_769 : vector<16xi32>
    tpu.vector_store_idx %arg9[%add3A_777], %get3A_768 {add = true} : memref<2688xf32, #tpu.memory_space<vmem>>[vector<16xi32>], vector<16xf32>,
    %get3A_778 = arith.constant 3 : i32
    %get3A_779 = arith.index_cast %get3A_778 : i32 to index
    %get3A_780 = arith.constant 32 : index
    %get3A_781 = tpu.vector_load %arg8[%get3A_779, %get3A_780] {strides = array<i32>} : memref<8x128xi32, #tpu.memory_space<vmem>>, vector<16xi32>,
    %get3A_782 = arith.constant 3 : i32
    %get3A_783 = arith.index_cast %get3A_782 : i32 to index
    %get3A_784 = arith.constant 32 : index
    %get3A_785 = tpu.vector_load %arg7[%get3A_783, %get3A_784] {strides = array<i32>} : memref<8x128xf32, #tpu.memory_space<vmem>>, vector<16xf32>,
    %gather3A_786 = tpu.vector_load_idx %arg6[%get3A_781] : memref<16384xi32, #tpu.memory_space<vmem>>[vector<16xi32>], vector<16xi32>,
    %broadcast_in_dim3A_787 = arith.constant 32 : i32
    %broadcast_in_dim3A_788 = vector.broadcast %broadcast_in_dim3A_787 : i32 to vector<16xi32>
    %iota3A_789 = tpu.iota {dimensions = array<i32: 0>} : vector<16xi32>
    %add3A_790 = arith.addi %broadcast_in_dim3A_788, %iota3A_789 : vector<16xi32>
    %mul3A_791 = arith.constant 21 : i32
    %mul3A_792 = vector.broadcast %mul3A_791 : i32 to vector<16xi32>
    %mul3A_793 = arith.muli %add3A_790, %mul3A_792 : vector<16xi32>
    %add3A_794 = arith.addi %mul3A_793, %gather3A_786 : vector<16xi32>
    tpu.vector_store_idx %arg9[%add3A_794], %get3A_785 {add = true} : memref<2688xf32, #tpu.memory_space<vmem>>[vector<16xi32>], vector<16xf32>,
    %get3A_795 = arith.constant 3 : i32
    %get3A_796 = arith.index_cast %get3A_795 : i32 to index
    %get3A_797 = arith.constant 48 : index
    %get3A_798 = tpu.vector_load %arg8[%get3A_796, %get3A_797] {strides = array<i32>} : memref<8x128xi32, #tpu.memory_space<vmem>>, vector<16xi32>,
    %get3A_799 = arith.constant 3 : i32
    %get3A_800 = arith.index_cast %get3A_799 : i32 to index
    %get3A_801 = arith.constant 48 : index
    %get3A_802 = tpu.vector_load %arg7[%get3A_800, %get3A_801] {strides = array<i32>} : memref<8x128xf32, #tpu.memory_space<vmem>>, vector<16xf32>,
    %gather3A_803 = tpu.vector_load_idx %arg6[%get3A_798] : memref<16384xi32, #tpu.memory_space<vmem>>[vector<16xi32>], vector<16xi32>,
    %broadcast_in_dim3A_804 = arith.constant 48 : i32
    %broadcast_in_dim3A_805 = vector.broadcast %broadcast_in_dim3A_804 : i32 to vector<16xi32>
    %iota3A_806 = tpu.iota {dimensions = array<i32: 0>} : vector<16xi32>
    %add3A_807 = arith.addi %broadcast_in_dim3A_805, %iota3A_806 : vector<16xi32>
    %mul3A_808 = arith.constant 21 : i32
    %mul3A_809 = vector.broadcast %mul3A_808 : i32 to vector<16xi32>
    %mul3A_810 = arith.muli %add3A_807, %mul3A_809 : vector<16xi32>
    %add3A_811 = arith.addi %mul3A_810, %gather3A_803 : vector<16xi32>
    tpu.vector_store_idx %arg9[%add3A_811], %get3A_802 {add = true} : memref<2688xf32, #tpu.memory_space<vmem>>[vector<16xi32>], vector<16xf32>,
    %get3A_812 = arith.constant 3 : i32
    %get3A_813 = arith.index_cast %get3A_812 : i32 to index
    %get3A_814 = arith.constant 64 : index
    %get3A_815 = tpu.vector_load %arg8[%get3A_813, %get3A_814] {strides = array<i32>} : memref<8x128xi32, #tpu.memory_space<vmem>>, vector<16xi32>,
    %get3A_816 = arith.constant 3 : i32
    %get3A_817 = arith.index_cast %get3A_816 : i32 to index
    %get3A_818 = arith.constant 64 : index
    %get3A_819 = tpu.vector_load %arg7[%get3A_817, %get3A_818] {strides = array<i32>} : memref<8x128xf32, #tpu.memory_space<vmem>>, vector<16xf32>,
    %gather3A_820 = tpu.vector_load_idx %arg6[%get3A_815] : memref<16384xi32, #tpu.memory_space<vmem>>[vector<16xi32>], vector<16xi32>,
    %broadcast_in_dim3A_821 = arith.constant 64 : i32
    %broadcast_in_dim3A_822 = vector.broadcast %broadcast_in_dim3A_821 : i32 to vector<16xi32>
    %iota3A_823 = tpu.iota {dimensions = array<i32: 0>} : vector<16xi32>
    %add3A_824 = arith.addi %broadcast_in_dim3A_822, %iota3A_823 : vector<16xi32>
    %mul3A_825 = arith.constant 21 : i32
    %mul3A_826 = vector.broadcast %mul3A_825 : i32 to vector<16xi32>
    %mul3A_827 = arith.muli %add3A_824, %mul3A_826 : vector<16xi32>
    %add3A_828 = arith.addi %mul3A_827, %gather3A_820 : vector<16xi32>
    tpu.vector_store_idx %arg9[%add3A_828], %get3A_819 {add = true} : memref<2688xf32, #tpu.memory_space<vmem>>[vector<16xi32>], vector<16xf32>,
    %get3A_829 = arith.constant 3 : i32
    %get3A_830 = arith.index_cast %get3A_829 : i32 to index
    %get3A_831 = arith.constant 80 : index
    %get3A_832 = tpu.vector_load %arg8[%get3A_830, %get3A_831] {strides = array<i32>} : memref<8x128xi32, #tpu.memory_space<vmem>>, vector<16xi32>,
    %get3A_833 = arith.constant 3 : i32
    %get3A_834 = arith.index_cast %get3A_833 : i32 to index
    %get3A_835 = arith.constant 80 : index
    %get3A_836 = tpu.vector_load %arg7[%get3A_834, %get3A_835] {strides = array<i32>} : memref<8x128xf32, #tpu.memory_space<vmem>>, vector<16xf32>,
    %gather3A_837 = tpu.vector_load_idx %arg6[%get3A_832] : memref<16384xi32, #tpu.memory_space<vmem>>[vector<16xi32>], vector<16xi32>,
    %broadcast_in_dim3A_838 = arith.constant 80 : i32
    %broadcast_in_dim3A_839 = vector.broadcast %broadcast_in_dim3A_838 : i32 to vector<16xi32>
    %iota3A_840 = tpu.iota {dimensions = array<i32: 0>} : vector<16xi32>
    %add3A_841 = arith.addi %broadcast_in_dim3A_839, %iota3A_840 : vector<16xi32>
    %mul3A_842 = arith.constant 21 : i32
    %mul3A_843 = vector.broadcast %mul3A_842 : i32 to vector<16xi32>
    %mul3A_844 = arith.muli %add3A_841, %mul3A_843 : vector<16xi32>
    %add3A_845 = arith.addi %mul3A_844, %gather3A_837 : vector<16xi32>
    tpu.vector_store_idx %arg9[%add3A_845], %get3A_836 {add = true} : memref<2688xf32, #tpu.memory_space<vmem>>[vector<16xi32>], vector<16xf32>,
    %get3A_846 = arith.constant 3 : i32
    %get3A_847 = arith.index_cast %get3A_846 : i32 to index
    %get3A_848 = arith.constant 96 : index
    %get3A_849 = tpu.vector_load %arg8[%get3A_847, %get3A_848] {strides = array<i32>} : memref<8x128xi32, #tpu.memory_space<vmem>>, vector<16xi32>,
    %get3A_850 = arith.constant 3 : i32
    %get3A_851 = arith.index_cast %get3A_850 : i32 to index
    %get3A_852 = arith.constant 96 : index
    %get3A_853 = tpu.vector_load %arg7[%get3A_851, %get3A_852] {strides = array<i32>} : memref<8x128xf32, #tpu.memory_space<vmem>>, vector<16xf32>,
    %gather3A_854 = tpu.vector_load_idx %arg6[%get3A_849] : memref<16384xi32, #tpu.memory_space<vmem>>[vector<16xi32>], vector<16xi32>,
    %broadcast_in_dim3A_855 = arith.constant 96 : i32
    %broadcast_in_dim3A_856 = vector.broadcast %broadcast_in_dim3A_855 : i32 to vector<16xi32>
    %iota3A_857 = tpu.iota {dimensions = array<i32: 0>} : vector<16xi32>
    %add3A_858 = arith.addi %broadcast_in_dim3A_856, %iota3A_857 : vector<16xi32>
    %mul3A_859 = arith.constant 21 : i32
    %mul3A_860 = vector.broadcast %mul3A_859 : i32 to vector<16xi32>
    %mul3A_861 = arith.muli %add3A_858, %mul3A_860 : vector<16xi32>
    %add3A_862 = arith.addi %mul3A_861, %gather3A_854 : vector<16xi32>
    tpu.vector_store_idx %arg9[%add3A_862], %get3A_853 {add = true} : memref<2688xf32, #tpu.memory_space<vmem>>[vector<16xi32>], vector<16xf32>,
    %get3A_863 = arith.constant 3 : i32
    %get3A_864 = arith.index_cast %get3A_863 : i32 to index
    %get3A_865 = arith.constant 112 : index
    %get3A_866 = tpu.vector_load %arg8[%get3A_864, %get3A_865] {strides = array<i32>} : memref<8x128xi32, #tpu.memory_space<vmem>>, vector<16xi32>,
    %get3A_867 = arith.constant 3 : i32
    %get3A_868 = arith.index_cast %get3A_867 : i32 to index
    %get3A_869 = arith.constant 112 : index
    %get3A_870 = tpu.vector_load %arg7[%get3A_868, %get3A_869] {strides = array<i32>} : memref<8x128xf32, #tpu.memory_space<vmem>>, vector<16xf32>,
    %gather3A_871 = tpu.vector_load_idx %arg6[%get3A_866] : memref<16384xi32, #tpu.memory_space<vmem>>[vector<16xi32>], vector<16xi32>,
    %broadcast_in_dim3A_872 = arith.constant 112 : i32
    %broadcast_in_dim3A_873 = vector.broadcast %broadcast_in_dim3A_872 : i32 to vector<16xi32>
    %iota3A_874 = tpu.iota {dimensions = array<i32: 0>} : vector<16xi32>
    %add3A_875 = arith.addi %broadcast_in_dim3A_873, %iota3A_874 : vector<16xi32>
    %mul3A_876 = arith.constant 21 : i32
    %mul3A_877 = vector.broadcast %mul3A_876 : i32 to vector<16xi32>
    %mul3A_878 = arith.muli %add3A_875, %mul3A_877 : vector<16xi32>
    %add3A_879 = arith.addi %mul3A_878, %gather3A_871 : vector<16xi32>
    tpu.vector_store_idx %arg9[%add3A_879], %get3A_870 {add = true} : memref<2688xf32, #tpu.memory_space<vmem>>[vector<16xi32>], vector<16xf32>,
    %get3A_880 = arith.constant 4 : i32
    %get3A_881 = arith.index_cast %get3A_880 : i32 to index
    %get3A_882 = arith.constant 0 : index
    %get3A_883 = tpu.vector_load %arg8[%get3A_881, %get3A_882] {strides = array<i32>} : memref<8x128xi32, #tpu.memory_space<vmem>>, vector<16xi32>,
    %get3A_884 = arith.constant 4 : i32
    %get3A_885 = arith.index_cast %get3A_884 : i32 to index
    %get3A_886 = arith.constant 0 : index
    %get3A_887 = tpu.vector_load %arg7[%get3A_885, %get3A_886] {strides = array<i32>} : memref<8x128xf32, #tpu.memory_space<vmem>>, vector<16xf32>,
    %gather3A_888 = tpu.vector_load_idx %arg6[%get3A_883] : memref<16384xi32, #tpu.memory_space<vmem>>[vector<16xi32>], vector<16xi32>,
    %broadcast_in_dim3A_889 = arith.constant 0 : i32
    %broadcast_in_dim3A_890 = vector.broadcast %broadcast_in_dim3A_889 : i32 to vector<16xi32>
    %iota3A_891 = tpu.iota {dimensions = array<i32: 0>} : vector<16xi32>
    %add3A_892 = arith.addi %broadcast_in_dim3A_890, %iota3A_891 : vector<16xi32>
    %mul3A_893 = arith.constant 21 : i32
    %mul3A_894 = vector.broadcast %mul3A_893 : i32 to vector<16xi32>
    %mul3A_895 = arith.muli %add3A_892, %mul3A_894 : vector<16xi32>
    %add3A_896 = arith.addi %mul3A_895, %gather3A_888 : vector<16xi32>
    tpu.vector_store_idx %arg9[%add3A_896], %get3A_887 {add = true} : memref<2688xf32, #tpu.memory_space<vmem>>[vector<16xi32>], vector<16xf32>,
    %get3A_897 = arith.constant 4 : i32
    %get3A_898 = arith.index_cast %get3A_897 : i32 to index
    %get3A_899 = arith.constant 16 : index
    %get3A_900 = tpu.vector_load %arg8[%get3A_898, %get3A_899] {strides = array<i32>} : memref<8x128xi32, #tpu.memory_space<vmem>>, vector<16xi32>,
    %get3A_901 = arith.constant 4 : i32
    %get3A_902 = arith.index_cast %get3A_901 : i32 to index
    %get3A_903 = arith.constant 16 : index
    %get3A_904 = tpu.vector_load %arg7[%get3A_902, %get3A_903] {strides = array<i32>} : memref<8x128xf32, #tpu.memory_space<vmem>>, vector<16xf32>,
    %gather3A_905 = tpu.vector_load_idx %arg6[%get3A_900] : memref<16384xi32, #tpu.memory_space<vmem>>[vector<16xi32>], vector<16xi32>,
    %broadcast_in_dim3A_906 = arith.constant 16 : i32
    %broadcast_in_dim3A_907 = vector.broadcast %broadcast_in_dim3A_906 : i32 to vector<16xi32>
    %iota3A_908 = tpu.iota {dimensions = array<i32: 0>} : vector<16xi32>
    %add3A_909 = arith.addi %broadcast_in_dim3A_907, %iota3A_908 : vector<16xi32>
    %mul3A_910 = arith.constant 21 : i32
    %mul3A_911 = vector.broadcast %mul3A_910 : i32 to vector<16xi32>
    %mul3A_912 = arith.muli %add3A_909, %mul3A_911 : vector<16xi32>
    %add3A_913 = arith.addi %mul3A_912, %gather3A_905 : vector<16xi32>
    tpu.vector_store_idx %arg9[%add3A_913], %get3A_904 {add = true} : memref<2688xf32, #tpu.memory_space<vmem>>[vector<16xi32>], vector<16xf32>,
    %get3A_914 = arith.constant 4 : i32
    %get3A_915 = arith.index_cast %get3A_914 : i32 to index
    %get3A_916 = arith.constant 32 : index
    %get3A_917 = tpu.vector_load %arg8[%get3A_915, %get3A_916] {strides = array<i32>} : memref<8x128xi32, #tpu.memory_space<vmem>>, vector<16xi32>,
    %get3A_918 = arith.constant 4 : i32
    %get3A_919 = arith.index_cast %get3A_918 : i32 to index
    %get3A_920 = arith.constant 32 : index
    %get3A_921 = tpu.vector_load %arg7[%get3A_919, %get3A_920] {strides = array<i32>} : memref<8x128xf32, #tpu.memory_space<vmem>>, vector<16xf32>,
    %gather3A_922 = tpu.vector_load_idx %arg6[%get3A_917] : memref<16384xi32, #tpu.memory_space<vmem>>[vector<16xi32>], vector<16xi32>,
    %broadcast_in_dim3A_923 = arith.constant 32 : i32
    %broadcast_in_dim3A_924 = vector.broadcast %broadcast_in_dim3A_923 : i32 to vector<16xi32>
    %iota3A_925 = tpu.iota {dimensions = array<i32: 0>} : vector<16xi32>
    %add3A_926 = arith.addi %broadcast_in_dim3A_924, %iota3A_925 : vector<16xi32>
    %mul3A_927 = arith.constant 21 : i32
    %mul3A_928 = vector.broadcast %mul3A_927 : i32 to vector<16xi32>
    %mul3A_929 = arith.muli %add3A_926, %mul3A_928 : vector<16xi32>
    %add3A_930 = arith.addi %mul3A_929, %gather3A_922 : vector<16xi32>
    tpu.vector_store_idx %arg9[%add3A_930], %get3A_921 {add = true} : memref<2688xf32, #tpu.memory_space<vmem>>[vector<16xi32>], vector<16xf32>,
    %get3A_931 = arith.constant 4 : i32
    %get3A_932 = arith.index_cast %get3A_931 : i32 to index
    %get3A_933 = arith.constant 48 : index
    %get3A_934 = tpu.vector_load %arg8[%get3A_932, %get3A_933] {strides = array<i32>} : memref<8x128xi32, #tpu.memory_space<vmem>>, vector<16xi32>,
    %get3A_935 = arith.constant 4 : i32
    %get3A_936 = arith.index_cast %get3A_935 : i32 to index
    %get3A_937 = arith.constant 48 : index
    %get3A_938 = tpu.vector_load %arg7[%get3A_936, %get3A_937] {strides = array<i32>} : memref<8x128xf32, #tpu.memory_space<vmem>>, vector<16xf32>,
    %gather3A_939 = tpu.vector_load_idx %arg6[%get3A_934] : memref<16384xi32, #tpu.memory_space<vmem>>[vector<16xi32>], vector<16xi32>,
    %broadcast_in_dim3A_940 = arith.constant 48 : i32
    %broadcast_in_dim3A_941 = vector.broadcast %broadcast_in_dim3A_940 : i32 to vector<16xi32>
    %iota3A_942 = tpu.iota {dimensions = array<i32: 0>} : vector<16xi32>
    %add3A_943 = arith.addi %broadcast_in_dim3A_941, %iota3A_942 : vector<16xi32>
    %mul3A_944 = arith.constant 21 : i32
    %mul3A_945 = vector.broadcast %mul3A_944 : i32 to vector<16xi32>
    %mul3A_946 = arith.muli %add3A_943, %mul3A_945 : vector<16xi32>
    %add3A_947 = arith.addi %mul3A_946, %gather3A_939 : vector<16xi32>
    tpu.vector_store_idx %arg9[%add3A_947], %get3A_938 {add = true} : memref<2688xf32, #tpu.memory_space<vmem>>[vector<16xi32>], vector<16xf32>,
    %get3A_948 = arith.constant 4 : i32
    %get3A_949 = arith.index_cast %get3A_948 : i32 to index
    %get3A_950 = arith.constant 64 : index
    %get3A_951 = tpu.vector_load %arg8[%get3A_949, %get3A_950] {strides = array<i32>} : memref<8x128xi32, #tpu.memory_space<vmem>>, vector<16xi32>,
    %get3A_952 = arith.constant 4 : i32
    %get3A_953 = arith.index_cast %get3A_952 : i32 to index
    %get3A_954 = arith.constant 64 : index
    %get3A_955 = tpu.vector_load %arg7[%get3A_953, %get3A_954] {strides = array<i32>} : memref<8x128xf32, #tpu.memory_space<vmem>>, vector<16xf32>,
    %gather3A_956 = tpu.vector_load_idx %arg6[%get3A_951] : memref<16384xi32, #tpu.memory_space<vmem>>[vector<16xi32>], vector<16xi32>,
    %broadcast_in_dim3A_957 = arith.constant 64 : i32
    %broadcast_in_dim3A_958 = vector.broadcast %broadcast_in_dim3A_957 : i32 to vector<16xi32>
    %iota3A_959 = tpu.iota {dimensions = array<i32: 0>} : vector<16xi32>
    %add3A_960 = arith.addi %broadcast_in_dim3A_958, %iota3A_959 : vector<16xi32>
    %mul3A_961 = arith.constant 21 : i32
    %mul3A_962 = vector.broadcast %mul3A_961 : i32 to vector<16xi32>
    %mul3A_963 = arith.muli %add3A_960, %mul3A_962 : vector<16xi32>
    %add3A_964 = arith.addi %mul3A_963, %gather3A_956 : vector<16xi32>
    tpu.vector_store_idx %arg9[%add3A_964], %get3A_955 {add = true} : memref<2688xf32, #tpu.memory_space<vmem>>[vector<16xi32>], vector<16xf32>,
    %get3A_965 = arith.constant 4 : i32
    %get3A_966 = arith.index_cast %get3A_965 : i32 to index
    %get3A_967 = arith.constant 80 : index
    %get3A_968 = tpu.vector_load %arg8[%get3A_966, %get3A_967] {strides = array<i32>} : memref<8x128xi32, #tpu.memory_space<vmem>>, vector<16xi32>,
    %get3A_969 = arith.constant 4 : i32
    %get3A_970 = arith.index_cast %get3A_969 : i32 to index
    %get3A_971 = arith.constant 80 : index
    %get3A_972 = tpu.vector_load %arg7[%get3A_970, %get3A_971] {strides = array<i32>} : memref<8x128xf32, #tpu.memory_space<vmem>>, vector<16xf32>,
    %gather3A_973 = tpu.vector_load_idx %arg6[%get3A_968] : memref<16384xi32, #tpu.memory_space<vmem>>[vector<16xi32>], vector<16xi32>,
    %broadcast_in_dim3A_974 = arith.constant 80 : i32
    %broadcast_in_dim3A_975 = vector.broadcast %broadcast_in_dim3A_974 : i32 to vector<16xi32>
    %iota3A_976 = tpu.iota {dimensions = array<i32: 0>} : vector<16xi32>
    %add3A_977 = arith.addi %broadcast_in_dim3A_975, %iota3A_976 : vector<16xi32>
    %mul3A_978 = arith.constant 21 : i32
    %mul3A_979 = vector.broadcast %mul3A_978 : i32 to vector<16xi32>
    %mul3A_980 = arith.muli %add3A_977, %mul3A_979 : vector<16xi32>
    %add3A_981 = arith.addi %mul3A_980, %gather3A_973 : vector<16xi32>
    tpu.vector_store_idx %arg9[%add3A_981], %get3A_972 {add = true} : memref<2688xf32, #tpu.memory_space<vmem>>[vector<16xi32>], vector<16xf32>,
    %get3A_982 = arith.constant 4 : i32
    %get3A_983 = arith.index_cast %get3A_982 : i32 to index
    %get3A_984 = arith.constant 96 : index
    %get3A_985 = tpu.vector_load %arg8[%get3A_983, %get3A_984] {strides = array<i32>} : memref<8x128xi32, #tpu.memory_space<vmem>>, vector<16xi32>,
    %get3A_986 = arith.constant 4 : i32
    %get3A_987 = arith.index_cast %get3A_986 : i32 to index
    %get3A_988 = arith.constant 96 : index
    %get3A_989 = tpu.vector_load %arg7[%get3A_987, %get3A_988] {strides = array<i32>} : memref<8x128xf32, #tpu.memory_space<vmem>>, vector<16xf32>,
    %gather3A_990 = tpu.vector_load_idx %arg6[%get3A_985] : memref<16384xi32, #tpu.memory_space<vmem>>[vector<16xi32>], vector<16xi32>,
    %broadcast_in_dim3A_991 = arith.constant 96 : i32
    %broadcast_in_dim3A_992 = vector.broadcast %broadcast_in_dim3A_991 : i32 to vector<16xi32>
    %iota3A_993 = tpu.iota {dimensions = array<i32: 0>} : vector<16xi32>
    %add3A_994 = arith.addi %broadcast_in_dim3A_992, %iota3A_993 : vector<16xi32>
    %mul3A_995 = arith.constant 21 : i32
    %mul3A_996 = vector.broadcast %mul3A_995 : i32 to vector<16xi32>
    %mul3A_997 = arith.muli %add3A_994, %mul3A_996 : vector<16xi32>
    %add3A_998 = arith.addi %mul3A_997, %gather3A_990 : vector<16xi32>
    tpu.vector_store_idx %arg9[%add3A_998], %get3A_989 {add = true} : memref<2688xf32, #tpu.memory_space<vmem>>[vector<16xi32>], vector<16xf32>,
    %get3A_999 = arith.constant 4 : i32
    %get3A_1000 = arith.index_cast %get3A_999 : i32 to index
    %get3A_1001 = arith.constant 112 : index
    %get3A_1002 = tpu.vector_load %arg8[%get3A_1000, %get3A_1001] {strides = array<i32>} : memref<8x128xi32, #tpu.memory_space<vmem>>, vector<16xi32>,
    %get3A_1003 = arith.constant 4 : i32
    %get3A_1004 = arith.index_cast %get3A_1003 : i32 to index
    %get3A_1005 = arith.constant 112 : index
    %get3A_1006 = tpu.vector_load %arg7[%get3A_1004, %get3A_1005] {strides = array<i32>} : memref<8x128xf32, #tpu.memory_space<vmem>>, vector<16xf32>,
    %gather3A_1007 = tpu.vector_load_idx %arg6[%get3A_1002] : memref<16384xi32, #tpu.memory_space<vmem>>[vector<16xi32>], vector<16xi32>,
    %broadcast_in_dim3A_1008 = arith.constant 112 : i32
    %broadcast_in_dim3A_1009 = vector.broadcast %broadcast_in_dim3A_1008 : i32 to vector<16xi32>
    %iota3A_1010 = tpu.iota {dimensions = array<i32: 0>} : vector<16xi32>
    %add3A_1011 = arith.addi %broadcast_in_dim3A_1009, %iota3A_1010 : vector<16xi32>
    %mul3A_1012 = arith.constant 21 : i32
    %mul3A_1013 = vector.broadcast %mul3A_1012 : i32 to vector<16xi32>
    %mul3A_1014 = arith.muli %add3A_1011, %mul3A_1013 : vector<16xi32>
    %add3A_1015 = arith.addi %mul3A_1014, %gather3A_1007 : vector<16xi32>
    tpu.vector_store_idx %arg9[%add3A_1015], %get3A_1006 {add = true} : memref<2688xf32, #tpu.memory_space<vmem>>[vector<16xi32>], vector<16xf32>,
    %mul3A_1016 = arith.constant 21 : i32
    %mul3A_1017 = arith.muli %mul3A_2, %mul3A_1016 : i32
    "tpu.region"() ({
      %run_scoped3A = tpu.sem_alloc : memref<!tpu.dma_semaphore, #tpu.memory_space<semaphore_mem>>
      %dma_start3A = tpu.memref_slice %arg5[%mul3A_1017] : memref<86016xf32, #tpu.memory_space<hbm>> -> memref<2688xf32, #tpu.memory_space<hbm>>
      %dma_start3A_1018 = tpu.memref_slice %arg5[%mul3A_1017] : memref<86016xf32, #tpu.memory_space<hbm>> -> memref<2688xf32, #tpu.memory_space<hbm>>
      tpu.enqueue_dma source(%arg9 : memref<2688xf32, #tpu.memory_space<vmem>>) target(%dma_start3A_1018 : memref<2688xf32, #tpu.memory_space<hbm>>) target_semaphore(%run_scoped3A : memref<!tpu.dma_semaphore, #tpu.memory_space<semaphore_mem>>)
      %dma_wait3A = tpu.memref_slice %arg5[%mul3A_1017] : memref<86016xf32, #tpu.memory_space<hbm>> -> memref<2688xf32, #tpu.memory_space<hbm>>
      %dma_wait3A_1019 = tpu.memref_slice %arg5[%mul3A_1017] : memref<86016xf32, #tpu.memory_space<hbm>> -> memref<2688xf32, #tpu.memory_space<hbm>>
      tpu.wait_dma2 semaphore(%run_scoped3A : memref<!tpu.dma_semaphore, #tpu.memory_space<semaphore_mem>>) src(%arg9 : memref<2688xf32, #tpu.memory_space<vmem>>) dst(%dma_wait3A_1019 : memref<2688xf32, #tpu.memory_space<hbm>>)
      tpu.yield
    }) : () -> ()
    return
  }
}

module attributes {stable_mosaic.version = 14 : i64} {
  func.func @_topk_body(%arg0: i32, %arg1: memref<128x128xf32, #tpu.memory_space<vmem>>, %arg2: memref<16384x128xf32, #tpu.memory_space<vmem>>, %arg3: memref<8x128xf32, #tpu.memory_space<vmem>>, %arg4: memref<8x128xi32, #tpu.memory_space<vmem>>, %arg5: memref<16384x128xf32, #tpu.memory_space<vmem>>) attributes {dimension_semantics = [#tpu.dimension_semantics<arbitrary>], iteration_bounds = array<i64: 32>, scalar_prefetch = 0 : i64, scratch_operands = 1 : i64, tpu.core_type = #tpu.core_type<tc>, window_params = [{transform_indices = @transform_0, window_bounds = array<i64: 128, 128>}, {pipeline_mode = #tpu.pipeline_mode<synchronous>, transform_indices = @transform_1, window_bounds = array<i64: 16384, 128>}, {transform_indices = @transform_2, window_bounds = array<i64: 8, 128>}, {transform_indices = @transform_3, window_bounds = array<i64: 8, 128>}]} {
    %eq3A = arith.constant 0 : i32
    %eq3A_0 = arith.cmpi eq, %arg0, %eq3A : i32
    %convert_element_type3A = arith.extui %eq3A_0 : i1 to i32
    %cond3A = arith.constant 0 : i32
    %cond3A_1 = arith.cmpi ne, %convert_element_type3A, %cond3A : i32
    scf.if %cond3A_1 {
      %get3A_205 = arith.constant 0 : index
      %get3A_206 = arith.constant 0 : index
      %get3A_207 = vector.load %arg2[%get3A_205, %get3A_206] : memref<16384x128xf32, #tpu.memory_space<vmem>>, vector<16384x128xf32>
      %mul3A_208 = arith.mulf %get3A_207, %get3A_207 : vector<16384x128xf32>
      %reduce_sum3A_209 = arith.constant dense<0.000000e+00> : vector<16384xf32>
      %reduce_sum3A_210 = vector.multi_reduction <add>, %mul3A_208, %reduce_sum3A_209 [1] : vector<16384x128xf32> to vector<16384xf32>
      %broadcast_in_dim3A_211 = vector.shape_cast %reduce_sum3A_210 : vector<16384xf32> to vector<16384x1xf32>
      %sqrt3A_212 = math.sqrt %broadcast_in_dim3A_211 : vector<16384x1xf32>
      %add3A_213 = arith.constant 9.99999996E-13 : f32
      %add3A_214 = vector.broadcast %add3A_213 : f32 to vector<16384x1xf32>
      %add3A_215 = arith.addf %sqrt3A_212, %add3A_214 : vector<16384x1xf32>
      %div3A_216 = arith.constant 1.000000e+00 : f32
      %div3A_217 = vector.broadcast %div3A_216 : f32 to vector<16384x1xf32>
      %div3A_218 = arith.divf %div3A_217, %add3A_215 : vector<16384x1xf32>
      %mul3A_219 = vector.broadcast %div3A_218 : vector<16384x1xf32> to vector<16384x128xf32>
      %mul3A_220 = arith.mulf %get3A_207, %mul3A_219 : vector<16384x128xf32>
      %swap3A_221 = arith.constant 0 : index
      %swap3A_222 = arith.constant 0 : index
      %swap3A_223 = vector.load %arg5[%swap3A_221, %swap3A_222] : memref<16384x128xf32, #tpu.memory_space<vmem>>, vector<16384x128xf32>
      tpu.vector_store %arg5[%swap3A_221, %swap3A_222], %mul3A_220 {strides = array<i32>} : memref<16384x128xf32, #tpu.memory_space<vmem>>, vector<16384x128xf32>,
    } else {
    }
    %get3A = arith.constant 0 : index
    %get3A_2 = arith.constant 0 : index
    %get3A_3 = vector.load %arg1[%get3A, %get3A_2] : memref<128x128xf32, #tpu.memory_space<vmem>>, vector<128x128xf32>
    %mul3A = arith.mulf %get3A_3, %get3A_3 : vector<128x128xf32>
    %reduce_sum3A = arith.constant dense<0.000000e+00> : vector<128xf32>
    %reduce_sum3A_4 = vector.multi_reduction <add>, %mul3A, %reduce_sum3A [1] : vector<128x128xf32> to vector<128xf32>
    %broadcast_in_dim3A = vector.shape_cast %reduce_sum3A_4 : vector<128xf32> to vector<128x1xf32>
    %sqrt3A = math.sqrt %broadcast_in_dim3A : vector<128x1xf32>
    %add3A = arith.constant 9.99999996E-13 : f32
    %add3A_5 = vector.broadcast %add3A : f32 to vector<128x1xf32>
    %add3A_6 = arith.addf %sqrt3A, %add3A_5 : vector<128x1xf32>
    %div3A = arith.constant 1.000000e+00 : f32
    %div3A_7 = vector.broadcast %div3A : f32 to vector<128x1xf32>
    %div3A_8 = arith.divf %div3A_7, %add3A_6 : vector<128x1xf32>
    %mul3A_9 = arith.constant 1.600000e+01 : f32
    %mul3A_10 = vector.broadcast %mul3A_9 : f32 to vector<128x1xf32>
    %mul3A_11 = arith.mulf %div3A_8, %mul3A_10 : vector<128x1xf32>
    %mul3A_12 = vector.broadcast %mul3A_11 : vector<128x1xf32> to vector<128x128xf32>
    %mul3A_13 = arith.mulf %get3A_3, %mul3A_12 : vector<128x128xf32>
    %get3A_14 = arith.constant 0 : index
    %get3A_15 = arith.constant 0 : index
    %get3A_16 = vector.load %arg5[%get3A_14, %get3A_15] : memref<16384x128xf32, #tpu.memory_space<vmem>>, vector<16384x128xf32>
    %dot_general3A = arith.constant dense<0.000000e+00> : vector<128x16384xf32>
    %dot_general3A_17 = tpu.matmul %mul3A_13, %get3A_16, %dot_general3A {dimension_numbers = #tpu.dot_dimension_numbers<[1], [1], [0], [0], [0, 0, 1, 0], [], []>, transpose_lhs_hint = false} : vector<128x128xf32>, vector<16384x128xf32>, vector<128x16384xf32> -> vector<128x16384xf32>
    %iota3A = tpu.iota {dimensions = array<i32: 1>} : vector<128x8192xi32>
    %slice3A = vector.extract_strided_slice %dot_general3A_17 {offsets = [0, 0], sizes = [128, 8192], strides = [1, 1]} : vector<128x16384xf32> to vector<128x8192xf32>
    %slice3A_18 = vector.extract_strided_slice %dot_general3A_17 {offsets = [0, 8192], sizes = [128, 8192], strides = [1, 1]} : vector<128x16384xf32> to vector<128x8192xf32>
    %max3A = arith.maximumf %slice3A, %slice3A_18 : vector<128x8192xf32>
    %min3A = arith.minimumf %slice3A, %slice3A_18 : vector<128x8192xf32>
    %ge3A = arith.cmpf oge, %slice3A, %slice3A_18 : vector<128x8192xf32>
    %add3A_19 = arith.constant 8192 : i32
    %add3A_20 = vector.broadcast %add3A_19 : i32 to vector<128x8192xi32>
    %add3A_21 = arith.addi %iota3A, %add3A_20 : vector<128x8192xi32>
    %select_n3A = arith.select %ge3A, %iota3A, %add3A_21 : vector<128x8192xi1>, vector<128x8192xi32>
    %mul3A_22 = arith.constant 2 : i32
    %mul3A_23 = vector.broadcast %mul3A_22 : i32 to vector<128x8192xi32>
    %mul3A_24 = arith.muli %mul3A_23, %iota3A : vector<128x8192xi32>
    %add3A_25 = arith.constant 8192 : i32
    %add3A_26 = vector.broadcast %add3A_25 : i32 to vector<128x8192xi32>
    %add3A_27 = arith.addi %mul3A_24, %add3A_26 : vector<128x8192xi32>
    %sub3A = arith.subi %add3A_27, %select_n3A : vector<128x8192xi32>
    %reduce_max3A = arith.constant dense<0xFF800000> : vector<128xf32>
    %reduce_max3A_28 = vector.multi_reduction <maximumf>, %max3A, %reduce_max3A [1] : vector<128x8192xf32> to vector<128xf32>
    %broadcast_in_dim3A_29 = vector.shape_cast %reduce_max3A_28 : vector<128xf32> to vector<128x1xf32>
    %eq3A_30 = vector.broadcast %broadcast_in_dim3A_29 : vector<128x1xf32> to vector<128x8192xf32>
    %eq3A_31 = arith.cmpf oeq, %max3A, %eq3A_30 : vector<128x8192xf32>
    %jit3A = arith.constant 1073741824 : i32
    %broadcast_in_dim3A_32 = vector.broadcast %jit3A : i32 to vector<128x8192xi32>
    %select_n3A_33 = arith.select %eq3A_31, %select_n3A, %broadcast_in_dim3A_32 : vector<128x8192xi1>, vector<128x8192xi32>
    %reduce_min3A = arith.constant dense<2147483647> : vector<128xi32>
    %reduce_min3A_34 = vector.multi_reduction <minsi>, %select_n3A_33, %reduce_min3A [1] : vector<128x8192xi32> to vector<128xi32>
    %broadcast_in_dim3A_35 = vector.shape_cast %reduce_min3A_34 : vector<128xi32> to vector<128x1xi32>
    %squeeze3A = vector.shape_cast %broadcast_in_dim3A_29 : vector<128x1xf32> to vector<128xf32>
    %swap3A = arith.constant 0 : index
    %swap3A_36 = arith.constant 0 : index
    %swap3A_37 = vector.load %arg3[%swap3A, %swap3A_36] : memref<8x128xf32, #tpu.memory_space<vmem>>, vector<1x128xf32>
    %swap3A_38 = vector.shape_cast %swap3A_37 : vector<1x128xf32> to vector<128xf32>
    %swap3A_39 = vector.shape_cast %squeeze3A : vector<128xf32> to vector<1x128xf32>
    tpu.vector_store %arg3[%swap3A, %swap3A_36], %swap3A_39 {strides = array<i32>} : memref<8x128xf32, #tpu.memory_space<vmem>>, vector<1x128xf32>,
    %squeeze3A_40 = vector.shape_cast %broadcast_in_dim3A_35 : vector<128x1xi32> to vector<128xi32>
    %swap3A_41 = arith.constant 0 : index
    %swap3A_42 = arith.constant 0 : index
    %swap3A_43 = vector.load %arg4[%swap3A_41, %swap3A_42] : memref<8x128xi32, #tpu.memory_space<vmem>>, vector<1x128xi32>
    %swap3A_44 = vector.shape_cast %swap3A_43 : vector<1x128xi32> to vector<128xi32>
    %swap3A_45 = vector.shape_cast %squeeze3A_40 : vector<128xi32> to vector<1x128xi32>
    tpu.vector_store %arg4[%swap3A_41, %swap3A_42], %swap3A_45 {strides = array<i32>} : memref<8x128xi32, #tpu.memory_space<vmem>>, vector<1x128xi32>,
    %eq3A_46 = vector.broadcast %broadcast_in_dim3A_35 : vector<128x1xi32> to vector<128x8192xi32>
    %eq3A_47 = arith.cmpi eq, %select_n3A, %eq3A_46 : vector<128x8192xi32>
    %select_n3A_48 = arith.select %eq3A_47, %min3A, %max3A : vector<128x8192xi1>, vector<128x8192xf32>
    %select_n3A_49 = arith.select %eq3A_47, %sub3A, %select_n3A : vector<128x8192xi1>, vector<128x8192xi32>
    %jit3A_50 = arith.constant 0xFF800000 : f32
    %broadcast_in_dim3A_51 = vector.broadcast %jit3A_50 : f32 to vector<128x8192xf32>
    %select_n3A_52 = arith.select %eq3A_47, %broadcast_in_dim3A_51, %min3A : vector<128x8192xi1>, vector<128x8192xf32>
    %reduce_max3A_53 = arith.constant dense<0xFF800000> : vector<128xf32>
    %reduce_max3A_54 = vector.multi_reduction <maximumf>, %select_n3A_48, %reduce_max3A_53 [1] : vector<128x8192xf32> to vector<128xf32>
    %broadcast_in_dim3A_55 = vector.shape_cast %reduce_max3A_54 : vector<128xf32> to vector<128x1xf32>
    %eq3A_56 = vector.broadcast %broadcast_in_dim3A_55 : vector<128x1xf32> to vector<128x8192xf32>
    %eq3A_57 = arith.cmpf oeq, %select_n3A_48, %eq3A_56 : vector<128x8192xf32>
    %jit3A_58 = arith.constant 1073741824 : i32
    %broadcast_in_dim3A_59 = vector.broadcast %jit3A_58 : i32 to vector<128x8192xi32>
    %select_n3A_60 = arith.select %eq3A_57, %select_n3A_49, %broadcast_in_dim3A_59 : vector<128x8192xi1>, vector<128x8192xi32>
    %reduce_min3A_61 = arith.constant dense<2147483647> : vector<128xi32>
    %reduce_min3A_62 = vector.multi_reduction <minsi>, %select_n3A_60, %reduce_min3A_61 [1] : vector<128x8192xi32> to vector<128xi32>
    %broadcast_in_dim3A_63 = vector.shape_cast %reduce_min3A_62 : vector<128xi32> to vector<128x1xi32>
    %squeeze3A_64 = vector.shape_cast %broadcast_in_dim3A_55 : vector<128x1xf32> to vector<128xf32>
    %swap3A_65 = arith.constant 1 : index
    %swap3A_66 = arith.constant 0 : index
    %swap3A_67 = vector.load %arg3[%swap3A_65, %swap3A_66] : memref<8x128xf32, #tpu.memory_space<vmem>>, vector<1x128xf32>
    %swap3A_68 = vector.shape_cast %swap3A_67 : vector<1x128xf32> to vector<128xf32>
    %swap3A_69 = vector.shape_cast %squeeze3A_64 : vector<128xf32> to vector<1x128xf32>
    tpu.vector_store %arg3[%swap3A_65, %swap3A_66], %swap3A_69 {strides = array<i32>} : memref<8x128xf32, #tpu.memory_space<vmem>>, vector<1x128xf32>,
    %squeeze3A_70 = vector.shape_cast %broadcast_in_dim3A_63 : vector<128x1xi32> to vector<128xi32>
    %swap3A_71 = arith.constant 1 : index
    %swap3A_72 = arith.constant 0 : index
    %swap3A_73 = vector.load %arg4[%swap3A_71, %swap3A_72] : memref<8x128xi32, #tpu.memory_space<vmem>>, vector<1x128xi32>
    %swap3A_74 = vector.shape_cast %swap3A_73 : vector<1x128xi32> to vector<128xi32>
    %swap3A_75 = vector.shape_cast %squeeze3A_70 : vector<128xi32> to vector<1x128xi32>
    tpu.vector_store %arg4[%swap3A_71, %swap3A_72], %swap3A_75 {strides = array<i32>} : memref<8x128xi32, #tpu.memory_space<vmem>>, vector<1x128xi32>,
    %eq3A_76 = vector.broadcast %broadcast_in_dim3A_63 : vector<128x1xi32> to vector<128x8192xi32>
    %eq3A_77 = arith.cmpi eq, %select_n3A_49, %eq3A_76 : vector<128x8192xi32>
    %select_n3A_78 = arith.select %eq3A_77, %select_n3A_52, %select_n3A_48 : vector<128x8192xi1>, vector<128x8192xf32>
    %select_n3A_79 = arith.select %eq3A_77, %sub3A, %select_n3A_49 : vector<128x8192xi1>, vector<128x8192xi32>
    %jit3A_80 = arith.constant 0xFF800000 : f32
    %broadcast_in_dim3A_81 = vector.broadcast %jit3A_80 : f32 to vector<128x8192xf32>
    %select_n3A_82 = arith.select %eq3A_77, %broadcast_in_dim3A_81, %select_n3A_52 : vector<128x8192xi1>, vector<128x8192xf32>
    %reduce_max3A_83 = arith.constant dense<0xFF800000> : vector<128xf32>
    %reduce_max3A_84 = vector.multi_reduction <maximumf>, %select_n3A_78, %reduce_max3A_83 [1] : vector<128x8192xf32> to vector<128xf32>
    %broadcast_in_dim3A_85 = vector.shape_cast %reduce_max3A_84 : vector<128xf32> to vector<128x1xf32>
    %eq3A_86 = vector.broadcast %broadcast_in_dim3A_85 : vector<128x1xf32> to vector<128x8192xf32>
    %eq3A_87 = arith.cmpf oeq, %select_n3A_78, %eq3A_86 : vector<128x8192xf32>
    %jit3A_88 = arith.constant 1073741824 : i32
    %broadcast_in_dim3A_89 = vector.broadcast %jit3A_88 : i32 to vector<128x8192xi32>
    %select_n3A_90 = arith.select %eq3A_87, %select_n3A_79, %broadcast_in_dim3A_89 : vector<128x8192xi1>, vector<128x8192xi32>
    %reduce_min3A_91 = arith.constant dense<2147483647> : vector<128xi32>
    %reduce_min3A_92 = vector.multi_reduction <minsi>, %select_n3A_90, %reduce_min3A_91 [1] : vector<128x8192xi32> to vector<128xi32>
    %broadcast_in_dim3A_93 = vector.shape_cast %reduce_min3A_92 : vector<128xi32> to vector<128x1xi32>
    %squeeze3A_94 = vector.shape_cast %broadcast_in_dim3A_85 : vector<128x1xf32> to vector<128xf32>
    %swap3A_95 = arith.constant 2 : index
    %swap3A_96 = arith.constant 0 : index
    %swap3A_97 = vector.load %arg3[%swap3A_95, %swap3A_96] : memref<8x128xf32, #tpu.memory_space<vmem>>, vector<1x128xf32>
    %swap3A_98 = vector.shape_cast %swap3A_97 : vector<1x128xf32> to vector<128xf32>
    %swap3A_99 = vector.shape_cast %squeeze3A_94 : vector<128xf32> to vector<1x128xf32>
    tpu.vector_store %arg3[%swap3A_95, %swap3A_96], %swap3A_99 {strides = array<i32>} : memref<8x128xf32, #tpu.memory_space<vmem>>, vector<1x128xf32>,
    %squeeze3A_100 = vector.shape_cast %broadcast_in_dim3A_93 : vector<128x1xi32> to vector<128xi32>
    %swap3A_101 = arith.constant 2 : index
    %swap3A_102 = arith.constant 0 : index
    %swap3A_103 = vector.load %arg4[%swap3A_101, %swap3A_102] : memref<8x128xi32, #tpu.memory_space<vmem>>, vector<1x128xi32>
    %swap3A_104 = vector.shape_cast %swap3A_103 : vector<1x128xi32> to vector<128xi32>
    %swap3A_105 = vector.shape_cast %squeeze3A_100 : vector<128xi32> to vector<1x128xi32>
    tpu.vector_store %arg4[%swap3A_101, %swap3A_102], %swap3A_105 {strides = array<i32>} : memref<8x128xi32, #tpu.memory_space<vmem>>, vector<1x128xi32>,
    %eq3A_106 = vector.broadcast %broadcast_in_dim3A_93 : vector<128x1xi32> to vector<128x8192xi32>
    %eq3A_107 = arith.cmpi eq, %select_n3A_79, %eq3A_106 : vector<128x8192xi32>
    %select_n3A_108 = arith.select %eq3A_107, %select_n3A_82, %select_n3A_78 : vector<128x8192xi1>, vector<128x8192xf32>
    %select_n3A_109 = arith.select %eq3A_107, %sub3A, %select_n3A_79 : vector<128x8192xi1>, vector<128x8192xi32>
    %jit3A_110 = arith.constant 0xFF800000 : f32
    %broadcast_in_dim3A_111 = vector.broadcast %jit3A_110 : f32 to vector<128x8192xf32>
    %select_n3A_112 = arith.select %eq3A_107, %broadcast_in_dim3A_111, %select_n3A_82 : vector<128x8192xi1>, vector<128x8192xf32>
    %reduce_max3A_113 = arith.constant dense<0xFF800000> : vector<128xf32>
    %reduce_max3A_114 = vector.multi_reduction <maximumf>, %select_n3A_108, %reduce_max3A_113 [1] : vector<128x8192xf32> to vector<128xf32>
    %broadcast_in_dim3A_115 = vector.shape_cast %reduce_max3A_114 : vector<128xf32> to vector<128x1xf32>
    %eq3A_116 = vector.broadcast %broadcast_in_dim3A_115 : vector<128x1xf32> to vector<128x8192xf32>
    %eq3A_117 = arith.cmpf oeq, %select_n3A_108, %eq3A_116 : vector<128x8192xf32>
    %jit3A_118 = arith.constant 1073741824 : i32
    %broadcast_in_dim3A_119 = vector.broadcast %jit3A_118 : i32 to vector<128x8192xi32>
    %select_n3A_120 = arith.select %eq3A_117, %select_n3A_109, %broadcast_in_dim3A_119 : vector<128x8192xi1>, vector<128x8192xi32>
    %reduce_min3A_121 = arith.constant dense<2147483647> : vector<128xi32>
    %reduce_min3A_122 = vector.multi_reduction <minsi>, %select_n3A_120, %reduce_min3A_121 [1] : vector<128x8192xi32> to vector<128xi32>
    %broadcast_in_dim3A_123 = vector.shape_cast %reduce_min3A_122 : vector<128xi32> to vector<128x1xi32>
    %squeeze3A_124 = vector.shape_cast %broadcast_in_dim3A_115 : vector<128x1xf32> to vector<128xf32>
    %swap3A_125 = arith.constant 3 : index
    %swap3A_126 = arith.constant 0 : index
    %swap3A_127 = vector.load %arg3[%swap3A_125, %swap3A_126] : memref<8x128xf32, #tpu.memory_space<vmem>>, vector<1x128xf32>
    %swap3A_128 = vector.shape_cast %swap3A_127 : vector<1x128xf32> to vector<128xf32>
    %swap3A_129 = vector.shape_cast %squeeze3A_124 : vector<128xf32> to vector<1x128xf32>
    tpu.vector_store %arg3[%swap3A_125, %swap3A_126], %swap3A_129 {strides = array<i32>} : memref<8x128xf32, #tpu.memory_space<vmem>>, vector<1x128xf32>,
    %squeeze3A_130 = vector.shape_cast %broadcast_in_dim3A_123 : vector<128x1xi32> to vector<128xi32>
    %swap3A_131 = arith.constant 3 : index
    %swap3A_132 = arith.constant 0 : index
    %swap3A_133 = vector.load %arg4[%swap3A_131, %swap3A_132] : memref<8x128xi32, #tpu.memory_space<vmem>>, vector<1x128xi32>
    %swap3A_134 = vector.shape_cast %swap3A_133 : vector<1x128xi32> to vector<128xi32>
    %swap3A_135 = vector.shape_cast %squeeze3A_130 : vector<128xi32> to vector<1x128xi32>
    tpu.vector_store %arg4[%swap3A_131, %swap3A_132], %swap3A_135 {strides = array<i32>} : memref<8x128xi32, #tpu.memory_space<vmem>>, vector<1x128xi32>,
    %eq3A_136 = vector.broadcast %broadcast_in_dim3A_123 : vector<128x1xi32> to vector<128x8192xi32>
    %eq3A_137 = arith.cmpi eq, %select_n3A_109, %eq3A_136 : vector<128x8192xi32>
    %select_n3A_138 = arith.select %eq3A_137, %select_n3A_112, %select_n3A_108 : vector<128x8192xi1>, vector<128x8192xf32>
    %select_n3A_139 = arith.select %eq3A_137, %sub3A, %select_n3A_109 : vector<128x8192xi1>, vector<128x8192xi32>
    %reduce_max3A_140 = arith.constant dense<0xFF800000> : vector<128xf32>
    %reduce_max3A_141 = vector.multi_reduction <maximumf>, %select_n3A_138, %reduce_max3A_140 [1] : vector<128x8192xf32> to vector<128xf32>
    %broadcast_in_dim3A_142 = vector.shape_cast %reduce_max3A_141 : vector<128xf32> to vector<128x1xf32>
    %eq3A_143 = vector.broadcast %broadcast_in_dim3A_142 : vector<128x1xf32> to vector<128x8192xf32>
    %eq3A_144 = arith.cmpf oeq, %select_n3A_138, %eq3A_143 : vector<128x8192xf32>
    %jit3A_145 = arith.constant 1073741824 : i32
    %broadcast_in_dim3A_146 = vector.broadcast %jit3A_145 : i32 to vector<128x8192xi32>
    %select_n3A_147 = arith.select %eq3A_144, %select_n3A_139, %broadcast_in_dim3A_146 : vector<128x8192xi1>, vector<128x8192xi32>
    %reduce_min3A_148 = arith.constant dense<2147483647> : vector<128xi32>
    %reduce_min3A_149 = vector.multi_reduction <minsi>, %select_n3A_147, %reduce_min3A_148 [1] : vector<128x8192xi32> to vector<128xi32>
    %broadcast_in_dim3A_150 = vector.shape_cast %reduce_min3A_149 : vector<128xi32> to vector<128x1xi32>
    %squeeze3A_151 = vector.shape_cast %broadcast_in_dim3A_142 : vector<128x1xf32> to vector<128xf32>
    %swap3A_152 = arith.constant 4 : index
    %swap3A_153 = arith.constant 0 : index
    %swap3A_154 = vector.load %arg3[%swap3A_152, %swap3A_153] : memref<8x128xf32, #tpu.memory_space<vmem>>, vector<1x128xf32>
    %swap3A_155 = vector.shape_cast %swap3A_154 : vector<1x128xf32> to vector<128xf32>
    %swap3A_156 = vector.shape_cast %squeeze3A_151 : vector<128xf32> to vector<1x128xf32>
    tpu.vector_store %arg3[%swap3A_152, %swap3A_153], %swap3A_156 {strides = array<i32>} : memref<8x128xf32, #tpu.memory_space<vmem>>, vector<1x128xf32>,
    %squeeze3A_157 = vector.shape_cast %broadcast_in_dim3A_150 : vector<128x1xi32> to vector<128xi32>
    %swap3A_158 = arith.constant 4 : index
    %swap3A_159 = arith.constant 0 : index
    %swap3A_160 = vector.load %arg4[%swap3A_158, %swap3A_159] : memref<8x128xi32, #tpu.memory_space<vmem>>, vector<1x128xi32>
    %swap3A_161 = vector.shape_cast %swap3A_160 : vector<1x128xi32> to vector<128xi32>
    %swap3A_162 = vector.shape_cast %squeeze3A_157 : vector<128xi32> to vector<1x128xi32>
    tpu.vector_store %arg4[%swap3A_158, %swap3A_159], %swap3A_162 {strides = array<i32>} : memref<8x128xi32, #tpu.memory_space<vmem>>, vector<1x128xi32>,
    %broadcast_in_dim3A_163 = arith.constant 0.000000e+00 : f32
    %broadcast_in_dim3A_164 = vector.broadcast %broadcast_in_dim3A_163 : f32 to vector<128xf32>
    %swap3A_165 = arith.constant 5 : index
    %swap3A_166 = arith.constant 0 : index
    %swap3A_167 = vector.load %arg3[%swap3A_165, %swap3A_166] : memref<8x128xf32, #tpu.memory_space<vmem>>, vector<1x128xf32>
    %swap3A_168 = vector.shape_cast %swap3A_167 : vector<1x128xf32> to vector<128xf32>
    %swap3A_169 = vector.shape_cast %broadcast_in_dim3A_164 : vector<128xf32> to vector<1x128xf32>
    tpu.vector_store %arg3[%swap3A_165, %swap3A_166], %swap3A_169 {strides = array<i32>} : memref<8x128xf32, #tpu.memory_space<vmem>>, vector<1x128xf32>,
    %broadcast_in_dim3A_170 = arith.constant 0 : i32
    %broadcast_in_dim3A_171 = vector.broadcast %broadcast_in_dim3A_170 : i32 to vector<128xi32>
    %swap3A_172 = arith.constant 5 : index
    %swap3A_173 = arith.constant 0 : index
    %swap3A_174 = vector.load %arg4[%swap3A_172, %swap3A_173] : memref<8x128xi32, #tpu.memory_space<vmem>>, vector<1x128xi32>
    %swap3A_175 = vector.shape_cast %swap3A_174 : vector<1x128xi32> to vector<128xi32>
    %swap3A_176 = vector.shape_cast %broadcast_in_dim3A_171 : vector<128xi32> to vector<1x128xi32>
    tpu.vector_store %arg4[%swap3A_172, %swap3A_173], %swap3A_176 {strides = array<i32>} : memref<8x128xi32, #tpu.memory_space<vmem>>, vector<1x128xi32>,
    %broadcast_in_dim3A_177 = arith.constant 0.000000e+00 : f32
    %broadcast_in_dim3A_178 = vector.broadcast %broadcast_in_dim3A_177 : f32 to vector<128xf32>
    %swap3A_179 = arith.constant 6 : index
    %swap3A_180 = arith.constant 0 : index
    %swap3A_181 = vector.load %arg3[%swap3A_179, %swap3A_180] : memref<8x128xf32, #tpu.memory_space<vmem>>, vector<1x128xf32>
    %swap3A_182 = vector.shape_cast %swap3A_181 : vector<1x128xf32> to vector<128xf32>
    %swap3A_183 = vector.shape_cast %broadcast_in_dim3A_178 : vector<128xf32> to vector<1x128xf32>
    tpu.vector_store %arg3[%swap3A_179, %swap3A_180], %swap3A_183 {strides = array<i32>} : memref<8x128xf32, #tpu.memory_space<vmem>>, vector<1x128xf32>,
    %broadcast_in_dim3A_184 = arith.constant 0 : i32
    %broadcast_in_dim3A_185 = vector.broadcast %broadcast_in_dim3A_184 : i32 to vector<128xi32>
    %swap3A_186 = arith.constant 6 : index
    %swap3A_187 = arith.constant 0 : index
    %swap3A_188 = vector.load %arg4[%swap3A_186, %swap3A_187] : memref<8x128xi32, #tpu.memory_space<vmem>>, vector<1x128xi32>
    %swap3A_189 = vector.shape_cast %swap3A_188 : vector<1x128xi32> to vector<128xi32>
    %swap3A_190 = vector.shape_cast %broadcast_in_dim3A_185 : vector<128xi32> to vector<1x128xi32>
    tpu.vector_store %arg4[%swap3A_186, %swap3A_187], %swap3A_190 {strides = array<i32>} : memref<8x128xi32, #tpu.memory_space<vmem>>, vector<1x128xi32>,
    %broadcast_in_dim3A_191 = arith.constant 0.000000e+00 : f32
    %broadcast_in_dim3A_192 = vector.broadcast %broadcast_in_dim3A_191 : f32 to vector<128xf32>
    %swap3A_193 = arith.constant 7 : index
    %swap3A_194 = arith.constant 0 : index
    %swap3A_195 = vector.load %arg3[%swap3A_193, %swap3A_194] : memref<8x128xf32, #tpu.memory_space<vmem>>, vector<1x128xf32>
    %swap3A_196 = vector.shape_cast %swap3A_195 : vector<1x128xf32> to vector<128xf32>
    %swap3A_197 = vector.shape_cast %broadcast_in_dim3A_192 : vector<128xf32> to vector<1x128xf32>
    tpu.vector_store %arg3[%swap3A_193, %swap3A_194], %swap3A_197 {strides = array<i32>} : memref<8x128xf32, #tpu.memory_space<vmem>>, vector<1x128xf32>,
    %broadcast_in_dim3A_198 = arith.constant 0 : i32
    %broadcast_in_dim3A_199 = vector.broadcast %broadcast_in_dim3A_198 : i32 to vector<128xi32>
    %swap3A_200 = arith.constant 7 : index
    %swap3A_201 = arith.constant 0 : index
    %swap3A_202 = vector.load %arg4[%swap3A_200, %swap3A_201] : memref<8x128xi32, #tpu.memory_space<vmem>>, vector<1x128xi32>
    %swap3A_203 = vector.shape_cast %swap3A_202 : vector<1x128xi32> to vector<128xi32>
    %swap3A_204 = vector.shape_cast %broadcast_in_dim3A_199 : vector<128xi32> to vector<1x128xi32>
    tpu.vector_store %arg4[%swap3A_200, %swap3A_201], %swap3A_204 {strides = array<i32>} : memref<8x128xi32, #tpu.memory_space<vmem>>, vector<1x128xi32>,
    return
  }
  func.func @transform_0(%arg0: i32) -> (i32, i32) {
    %c0_i32 = arith.constant 0 : i32
    %c0_i32_0 = arith.constant 0 : i32
    return %arg0, %c0_i32 : i32, i32
  }
  func.func @transform_1(%arg0: i32) -> (i32, i32) {
    %c0_i32 = arith.constant 0 : i32
    %c0_i32_0 = arith.constant 0 : i32
    %c0_i32_1 = arith.constant 0 : i32
    return %c0_i32, %c0_i32_0 : i32, i32
  }
  func.func @transform_2(%arg0: i32) -> (i32, i32) {
    %c0_i32 = arith.constant 0 : i32
    %c0_i32_0 = arith.constant 0 : i32
    return %c0_i32, %arg0 : i32, i32
  }
  func.func @transform_3(%arg0: i32) -> (i32, i32) {
    %c0_i32 = arith.constant 0 : i32
    %c0_i32_0 = arith.constant 0 : i32
    return %c0_i32, %arg0 : i32, i32
  }
}

</mosaic_0001>

<sc_bundles>
// kernel: kernel.4.cloned.1.call-start
scs
__scs_entry_jumppad:
0x0: {  	(pc) =	sbr.rel $0x88, $3  }
0x1: {  	(tag) =	ssettag $0x0;
	lr =	simm.s32 $0x1  }
0x2: {  	[smem:$0x3F9E] =	sst lr;
	_ =	strace $0xD0000000  }
0x3: {  	_ = 	snop  }
0x4: {  	_ = 	snop  }
0x5: {  	_ = 	snop  }
0x6: {  	_ = 	snop  }
0x7: {  	_ = 	snop  }
__scs_overlays_trampoline_lowered:
0x8: {  	[smem:$0x3FAD] =	sst s0  }
0x9: {  	[smem:$0x3FAE] =	sst s1  }
0xa: {  	[smem:$0x3FAF] =	sst s2  }
0xb: {  	[smem:$0x3FB0] =	sst s3  }
0xc: {  	[smem:$0x3FB1] =	sst s4  }
0xd: {  	[smem:$0x3FB2] =	sst s5  }
0xe: {  	[smem:$0x3FB3] =	sst s6  }
0xf: {  	[smem:$0x3FB4] =	sst s7  }
0x10: {  	[smem:$0x3FB5] =	sst s8  }
0x11: {  	[smem:$0x3FB6] =	sst s9;
	s0 =	simm.s32 @!p0 $0x0  }
0x12: {  	s1 =	sld [smem:$0x3F9C];
	s0 =	simm.s32 @p0 $0x1  }
0x13: {  	[smem:$0x3FB7] =	sst s0;
	s0 =	simm.s32 @!p1 $0x0  }
0x14: {  	s2 =	sld [smem:$0x3F9B];
	s0 =	simm.s32 @p1 $0x1  }
0x15: {  	[smem:$0x3FB8] =	sst s0;
	s0 =	simm.s32 @!p2 $0x0  }
0x16: {  	s3 =	sld [smem:$0x3FDB];
	s0 =	simm.s32 @p2 $0x1  }
0x17: {  	s4 =	simm.s32 $0x1BF5;
	[smem:$0x3FBA] =	sst s0  }
0x18: {  	s0 =	sld [smem:$0x3F9D];
	_ =	swait.ge [sflag:s4], $0x0  }
0x19: {  	s7 =	sld [smem:$0x3F9E]  }
0x1a: {  	s8 =	sadd.s32 $0xFFFFE003, lr  }
0x1b: {  	s9 =	sadd.s32 $0xFFFFFEF7, lr;
	s5 =	simm.s32 $0xFFFFFFFF;
	p2 =	slt.u32 s8, $0xFFFFF086  }
0x1c: {  	p1 =	slt.u32 s9, $0xF7A;
	s5 =	simm.s32 @!p2 $0x0  }
0x1d: {  	s5 =	simm.s32 @p1 $0x1;
	p0 =	seq.s32 s7, s2  }
0x1e: {  	s7 =	smul.u32 @!p0 $0xF7A, s2;
	p2 =	seq.s32 @!p0 s5, $0x0  }
0x1f: {  	s9 =	smul.u32 $0xF7A, s1;
	s8 =	simm.s32 @!p0 $0x1BF5;
	p2 =	por !p2, p0  }
0x20: {  	[sflag:s8] =	ssyncset.s32 @!p0 $0xFFFFF086;
	s6 =	sadd.s32 @!p0 s3, s7;
	s7 =	simm.s32 @!p0 $0x108  }
0x21: {  	s3 =	sadd.s32 s3, s9;
	s6 =	sadd.s32 @!p0 $0x88, s6;
	s7 =	simm.s32 @p2 $0x1082  }
0x22: {  	[simem:s7], [sflag:s8] =	dma.local @!p0 [hbm:s6], $0xF7A  }
0x23: {  	s9 =	sor.u32 $0xD0000000, s2;
	s6 =	simm.s32 $0x108;
	_ =	swait.ge @!p0 [sflag:s8], $0x0  }
0x24: {  	s3 =	sadd.s32 $0x88, s3;
	s6 =	simm.s32 @!p1 $0x1082;
	[sflag:s4] =	ssyncset.s32 $0xFFFFF086  }
0x25: {  	[simem:s6], [sflag:s4] =	dma.local [hbm:s3], $0xF7A  }
0x26: {  	[smem:$0x3F9E] =	sst s1;
	(tag) =	ssettag s2;
	_ =	strace s9  }
0x27: {  	s1 =	sld [smem:$0x3FAE]  }
0x28: {  	s2 =	sld [smem:$0x3FAF]  }
0x29: {  	s4 =	sld [smem:$0x3FB1]  }
0x2a: {  	p0 =	seq.s32 s5, $0x0;
	s5 =	sld [smem:$0x3FB2]  }
0x2b: {  	s6 =	sld [smem:$0x3FB3]  }
0x2c: {  	s7 =	sld [smem:$0x3FB4]  }
0x2d: {  	s3 =	simm.s32 $0x108;
	s8 =	sld [smem:$0x3FB5]  }
0x2e: {  	s3 =	simm.s32 @!p0 $0x1082;
	s9 =	sld [smem:$0x3FB6]  }
0x2f: {  	lr =	sadd.s32 s0, s3;
	s0 =	sld [smem:$0x3FAD]  }
0x30: {  	s3 =	sld [smem:$0x3FB0]  }
0x31: {  	[smem:$0x3FB9] =	sst s10  }
0x32: {  	s10 =	sld [smem:$0x3FB7];
	_ =	sdelay $0x3  }
0x33: {  	p0 =	seq.s32 s10, $0x1;
	s10 =	sld [smem:$0x3FB9];
	_ =	sdelay $0x3  }
0x34: {  	[smem:$0x3FB9] =	sst s10  }
0x35: {  	s10 =	sld [smem:$0x3FB8];
	_ =	sdelay $0x3  }
0x36: {  	p1 =	seq.s32 s10, $0x1;
	s10 =	sld [smem:$0x3FB9];
	_ =	sdelay $0x3  }
0x37: {  	[smem:$0x3FB9] =	sst s10  }
0x38: {  	s10 =	sld [smem:$0x3FBA]  }
0x39: {  	_ = 	snop;
	(pc) =	sbr.ind lr, $3  }
0x3a: {  	_ = 	snop  }
0x3b: {  	_ = 	snop  }
0x3c: {  	p2 =	seq.s32 s10, $0x1;
	s10 =	sld [smem:$0x3FB9]  }
0x3d: {  	_ =	shalt  }
0x3e: {  	_ =	shalt  }
0x3f: {  	_ =	shalt  }
0x40: {  	_ =	shalt  }
0x41: {  	_ =	shalt  }
0x42: {  	_ =	shalt  }
0x43: {  	_ =	shalt  }
0x44: {  	_ =	shalt  }
0x45: {  	_ =	shalt  }
0x46: {  	_ =	shalt  }
0x47: {  	_ =	shalt  }
0x48: {  	_ =	shalt  }
0x49: {  	_ =	shalt  }
0x4a: {  	_ =	shalt  }
0x4b: {  	_ =	shalt  }
0x4c: {  	_ =	shalt  }
0x4d: {  	_ =	shalt  }
0x4e: {  	_ =	shalt  }
0x4f: {  	_ =	shalt  }
0x50: {  	_ =	shalt  }
0x51: {  	_ =	shalt  }
0x52: {  	_ =	shalt  }
0x53: {  	_ =	shalt  }
0x54: {  	_ =	shalt  }
0x55: {  	_ =	shalt  }
0x56: {  	_ =	shalt  }
0x57: {  	_ =	shalt  }
0x58: {  	_ =	shalt  }
0x59: {  	_ =	shalt  }
0x5a: {  	_ =	shalt  }
0x5b: {  	_ =	shalt  }
0x5c: {  	_ =	shalt  }
0x5d: {  	_ =	shalt  }
0x5e: {  	_ =	shalt  }
0x5f: {  	_ =	shalt  }
0x60: {  	_ =	shalt  }
0x61: {  	_ =	shalt  }
0x62: {  	_ =	shalt  }
0x63: {  	_ =	shalt  }
0x64: {  	_ =	shalt  }
0x65: {  	_ =	shalt  }
0x66: {  	_ =	shalt  }
0x67: {  	_ =	shalt  }
0x68: {  	_ =	shalt  }
0x69: {  	_ =	shalt  }
0x6a: {  	_ =	shalt  }
0x6b: {  	_ =	shalt  }
0x6c: {  	_ =	shalt  }
0x6d: {  	_ =	shalt  }
0x6e: {  	_ =	shalt  }
0x6f: {  	_ =	shalt  }
0x70: {  	_ =	shalt  }
0x71: {  	_ =	shalt  }
0x72: {  	_ =	shalt  }
0x73: {  	_ =	shalt  }
0x74: {  	_ =	shalt  }
0x75: {  	_ =	shalt  }
0x76: {  	_ =	shalt  }
0x77: {  	_ =	shalt  }
0x78: {  	_ =	shalt  }
0x79: {  	_ =	shalt  }
0x7a: {  	_ =	shalt  }
0x7b: {  	_ =	shalt  }
0x7c: {  	_ =	shalt  }
0x7d: {  	_ =	shalt  }
0x7e: {  	_ =	shalt  }
0x7f: {  	_ =	shalt  }
0x80: {  	_ =	shalt  }
0x81: {  	_ =	shalt  }
0x82: {  	_ =	shalt  }
0x83: {  	_ =	shalt  }
0x84: {  	_ =	shalt  }
0x85: {  	_ =	shalt  }
0x86: {  	_ =	shalt  }
0x87: {  	_ =	shalt  }
.Lfunc_end0:
.L_simem_size_0:
called_computation_lowered:
.L_overlay_start_0:
0x88: {  	s2 =	sld [smem:$0x3FD9]  }
0x89: {  	s3 =	sld [smem:$0x3FFE];
	_ =	sdelay $0x1  }
0x8a: {  	s1 =	srdreg.scid  }
0x8b: {  	s0 =	sand.u32 $0x1, s1  }
0x8c: {  	s17 =	sshll.u32 s0, $0xA;
	s2 =	sadd.s32 s3, s2  }
0x8d: {  	s2 =	sadd.s32 s2, s17  }
0x8e: {  	[smem:$0x3FC5] =	sst s2  }
0x8f: {  	_ = 	snop  }
0x90: {  	s2 =	sld [smem:$0x3FC7]  }
0x91: {  	s18 =	sld [smem:$0x3FD0];
	(tm) =	ssettm $0x1  }
0x92: {  	s4 =	sld [smem:$0x3FFB];
	_ =	sdelay $0x3  }
0x93: {  	_ =	strace s4  }
0x94: {  	s4 =	sld [smem:$0x3FFC];
	_ =	sdelay $0x3  }
0x95: {  	_ =	strace s4  }
0x96: {  	s4 =	sld [smem:$0x3FFD];
	_ =	sdelay $0x3  }
0x97: {  	_ =	strace s4  }
0x98: {  	_ =	strace $0x8FFFFFFF  }
0x99: {  	s19 =	sld [smem:$0x3FDB];
	_ =	sdelay $0x1  }
0x9a: {  	s5 =	simm.s32 $_scs_section_size  }
0x9b: {  	s6 =	simm.s32 $_size__tile_overlayer_lowered;
	s7 =	simm.s32 $_tile_overlayer_lowered  }
0x9c: {  	s22 =	simm.s32 $0x1BFF;
	s21 =	sshll.u32 s7, $0x1;
	s4 =	sadd.s32 s5, s19  }
0x9d: {  	s8 =	simm.s32 $0x0;
	s20 =	sshll.u32 s6, $0x1;
	s6 =	sadd.s32 s21, s4  }
0x9e: {  	[timem:s8], [sflag:s22] =	dma.local [hbm:s6], s20  }
0x9f: {  	_ =	swait.ge [sflag:s22], s20  }
0xa0: {  	s5 =	ssub.s32 $0x0, s20;
	[sflag:s22] =	ssyncset.done $0x0  }
0xa1: {  	[sflag:s22] =	ssyncadd.s32 s5;
	_ =	sdelay $0x1  }
0xa2: {  	s23 =	simm.s32 $0x1B8B  }
0xa3: {  	_ =	swait.ge [sflag:s23], $0x1  }
0xa4: {  	[sflag:s23] =	ssyncset.done $0x0  }
0xa5: {  	s25 =	simm.s32 $0x1B8E;
	s24 =	sld [smem:$0x3FFE];
	[sflag:s23] =	ssyncadd.s32 $0xFFFFFFFF  }
0xa6: {  	s26 =	simm.s32 $execute0_lowered;
	[smem:$0x3FD2] =	sst s25  }
0xa7: {  	s6 =	sshll.u32 s26, $0x1;
	_ =	strace $0x80000046;
	[dreg:$0x1] =	wrdreg $0xFFFFFFFF  }
0xa8: {  	s28 =	simm.s32 $_size_execute0_lowered;
	s4 =	sadd.s32 s4, s6;
	[dreg:$0x0] =	wrdreg $0x0  }
0xa9: {  	s6 =	sshll.u32 s28, $0x1;
	[dreg:$0x2] =	wrdreg s4  }
0xaa: {  	[dreg:$0x3] =	wrdreg s6  }
0xab: {  	[dreg:$0x4] =	wrdreg $0xC0  }
0xac: {  	_ =	task [dreg:s8], $0x5FFFF  }
0xad: {  	[dreg:$0x1] =	wrdreg $0xFFFFFFFF  }
0xae: {  	[dreg:$0x0] =	wrdreg $0x60  }
0xaf: {  	[dreg:$0x2] =	wrdreg s24  }
0xb0: {  	[dreg:$0x3] =	wrdreg s2  }
0xb1: {  	[dreg:$0x4] =	wrdreg s18  }
0xb2: {  	[dreg:$0x5] =	wrdreg $0x9  }
0xb3: {  	_ =	task.clear_ibuf [dreg:s8], $0x6FFFF;
	_ =	strace $0x90000046  }
0xb4: {  	s29 =	simm.s32 $0x9;
	_ =	strace $0x80000048  }
0xb5: {  	_ =	swait.ge [sflag:s29], $0x1  }
0xb6: {  	[sflag:s29] =	ssyncadd.s32 $0xFFFFFFFF  }
0xb7: {  	_ =	strace $0x90000048  }
0xb8: {  	_ =	sfence  }
0xb9: {  	s30 =	sld [smem:$0x0];
	_ =	sdelay $0x2  }
0xba: {  	s31 =	sshll.u32 s1, $0xD;
	s1 =	sshrl.u32 s1, $0x2  }
0xbb: {  	s3 =	sand.u32 $0x4000, s31;
	s1 =	sadd.s32 s1, s30  }
0xbc: {  	s0 =	sor.u32 s3, s0;
	s1 =	sshll.u32 s1, $0x11  }
0xbd: {  	s0 =	sor.u32 s1, s0  }
0xbe: {  	s0 =	sadd.s32 $0x8F2B, s0  }
0xbf: {  	[sflag:s0] =	ssyncadd.remote.s32 $0x1  }
0xc0: {  	_ =	sfence.sel $0xFFFF  }
0xc1: {  	[dreg:$0x0] =	wrdreg $0xFFFFFFFF;
	(pc) =	sbr.abs _section_cstart, $3  }
0xc2: {  	[dreg:$0x1] =	wrdreg $0xFFFFFFFF  }
0xc3: {  	_ =	task.clear_ibuf [dreg:s8], $0x2FFFF;
	_ =	strace $0x9FFFFFFF  }
0xc4: {  	(tm) =	ssettm $0x7FFFFFFF  }
0xc5: {  	_ =	shalt  }
tec
execute0_lowered:
.L_overlay_start_1:
0x0: {  	(tag) =	ssettag $0x1  }
0x1: {  	s4 =	rddreg [dreg:$0x0]  }
0x2: {  	s2 =	rddreg [dreg:$0x1]  }
0x3: {  	s6 =	rddreg [dreg:$0x2]  }
0x4: {  	s0 =	rddreg [dreg:$0x3];
	s5 =	srdreg.scid  }
0x5: {  	s1 =	stileid.u32;
	s3 =	simm.s32 $0x0;
	s10 =	simm.s32 $0x4400  }
0x6: {  	v0 =	vlaneseq.u32;
	s11 =	simm.s32 $0x4800;
	s5 =	sand.u32 $0x1, s5;
	s7 =	sshll.u32 s1, $0x1  }
0x7: {  	[smem:$0x7FF] =	sst s3;
	v0 =	vmul.u32 $0x15, v0;
	s7 =	sor.u32 s5, s7;
	s5 =	ssub.s32 $0x2, s5  }
0x8: {  	s8 =	sshll.u32 s7, $0x7;
	s31 =	sshrl.u32 s5, $0x1;
	s7 =	smul.u32 $0x150, s7  }
0x9: {  	v1 =	vimm.f32 $0.0e+00;
	_ =	strace $0x80000047;
	v2 =	vadd.s32 $0x150, v0;
	s8 =	sadd.s32 s8, s4;
	s9 =	ssub.s32 s5, s31  }
0xa: {  	v3 =	vadd.s32 $0x2A0, v0;
	v4 =	vadd.s32 $0x3F0, v0;
	v5 =	vadd.s32 $0x540, v0;
	s4 =	sadd.s32 $0xE00, s8;
	s5 =	sadd.s32 $0x1E00, s8;
	s6 =	sadd.s32 s6, s7  }
0xb: {  	v6 =	vadd.s32 $0x690, v0;
	v7 =	vadd.s32 $0x7E0, v0;
	v8 =	vadd.s32 $0x930, v0;
	s7 =	smax.u32 s9, $0x1;
	s8 =	simm.s32 $0x1;
	s9 =	simm.s32 $0x4000  }
.LBB2_1:
0xc: {  	[tilespmem:s3], [sflag:$0x1] =	stream.linear.gather [hbm4b:s2+s3], $0x4000, $0x38;
	[tilespmem:$0x5280] =	vst v63  }
0xd: {  	_ =	swait.ge [sflag:s8], $0x4000  }
0xe: {  	[sflag:s8] =	ssyncset.done $0x0  }
0xf: {  	[sflag:s8] =	ssyncadd.s32 $0xFFFFC000  }
0x10: {  	[tilespmem:s9], [sflag:$0x1] =	stream.linear.gather [hbm4b:s4+s3], $0x400, $0x38;
	[tilespmem:$0x5280] =	vst v63  }
0x11: {  	_ =	swait.ge [sflag:s8], $0x400  }
0x12: {  	[sflag:s8] =	ssyncset.done $0x0  }
0x13: {  	[sflag:s8] =	ssyncadd.s32 $0xFFFFFC00  }
0x14: {  	[tilespmem:s10], [sflag:$0x1] =	stream.linear.gather [hbm4b:s5+s3], $0x400, $0x38;
	[tilespmem:$0x5280] =	vst v63  }
0x15: {  	_ =	swait.ge [sflag:s8], $0x400  }
0x16: {  	[sflag:s8] =	ssyncset.done $0x0  }
0x17: {  	[sflag:s8] =	ssyncadd.s32 $0xFFFFFC00  }
0x18: {  	[tilespmem:$0x4800] =	vst v1  }
0x19: {  	[tilespmem:$0x4810] =	vst v1  }
0x1a: {  	[tilespmem:$0x4820] =	vst v1  }
0x1b: {  	[tilespmem:$0x4830] =	vst v1  }
0x1c: {  	[tilespmem:$0x4840] =	vst v1  }
0x1d: {  	[tilespmem:$0x4850] =	vst v1  }
0x1e: {  	[tilespmem:$0x4860] =	vst v1  }
0x1f: {  	[tilespmem:$0x4870] =	vst v1  }
0x20: {  	[tilespmem:$0x4880] =	vst v1  }
0x21: {  	[tilespmem:$0x4890] =	vst v1  }
0x22: {  	[tilespmem:$0x48A0] =	vst v1  }
0x23: {  	[tilespmem:$0x48B0] =	vst v1  }
0x24: {  	[tilespmem:$0x48C0] =	vst v1  }
0x25: {  	[tilespmem:$0x48D0] =	vst v1  }
0x26: {  	[tilespmem:$0x48E0] =	vst v1  }
0x27: {  	[tilespmem:$0x48F0] =	vst v1  }
0x28: {  	[tilespmem:$0x4900] =	vst v1  }
0x29: {  	[tilespmem:$0x4910] =	vst v1  }
0x2a: {  	[tilespmem:$0x4920] =	vst v1  }
0x2b: {  	[tilespmem:$0x4930] =	vst v1  }
0x2c: {  	[tilespmem:$0x4940] =	vst v1  }
0x2d: {  	[tilespmem:$0x4950] =	vst v1  }
0x2e: {  	[tilespmem:$0x4960] =	vst v1  }
0x2f: {  	[tilespmem:$0x4970] =	vst v1  }
0x30: {  	[tilespmem:$0x4980] =	vst v1  }
0x31: {  	[tilespmem:$0x4990] =	vst v1  }
0x32: {  	[tilespmem:$0x49A0] =	vst v1  }
0x33: {  	[tilespmem:$0x49B0] =	vst v1  }
0x34: {  	[tilespmem:$0x49C0] =	vst v1  }
0x35: {  	[tilespmem:$0x49D0] =	vst v1  }
0x36: {  	[tilespmem:$0x49E0] =	vst v1  }
0x37: {  	[tilespmem:$0x49F0] =	vst v1  }
0x38: {  	[tilespmem:$0x4A00] =	vst v1  }
0x39: {  	[tilespmem:$0x4A10] =	vst v1  }
0x3a: {  	[tilespmem:$0x4A20] =	vst v1  }
0x3b: {  	[tilespmem:$0x4A30] =	vst v1  }
0x3c: {  	[tilespmem:$0x4A40] =	vst v1  }
0x3d: {  	[tilespmem:$0x4A50] =	vst v1  }
0x3e: {  	[tilespmem:$0x4A60] =	vst v1  }
0x3f: {  	[tilespmem:$0x4A70] =	vst v1  }
0x40: {  	[tilespmem:$0x4A80] =	vst v1  }
0x41: {  	[tilespmem:$0x4A90] =	vst v1  }
0x42: {  	[tilespmem:$0x4AA0] =	vst v1  }
0x43: {  	[tilespmem:$0x4AB0] =	vst v1  }
0x44: {  	[tilespmem:$0x4AC0] =	vst v1  }
0x45: {  	[tilespmem:$0x4AD0] =	vst v1  }
0x46: {  	[tilespmem:$0x4AE0] =	vst v1  }
0x47: {  	[tilespmem:$0x4AF0] =	vst v1  }
0x48: {  	[tilespmem:$0x4B00] =	vst v1  }
0x49: {  	[tilespmem:$0x4B10] =	vst v1  }
0x4a: {  	[tilespmem:$0x4B20] =	vst v1  }
0x4b: {  	[tilespmem:$0x4B30] =	vst v1  }
0x4c: {  	[tilespmem:$0x4B40] =	vst v1  }
0x4d: {  	[tilespmem:$0x4B50] =	vst v1  }
0x4e: {  	[tilespmem:$0x4B60] =	vst v1  }
0x4f: {  	[tilespmem:$0x4B70] =	vst v1  }
0x50: {  	[tilespmem:$0x4B80] =	vst v1  }
0x51: {  	[tilespmem:$0x4B90] =	vst v1  }
0x52: {  	[tilespmem:$0x4BA0] =	vst v1  }
0x53: {  	[tilespmem:$0x4BB0] =	vst v1  }
0x54: {  	[tilespmem:$0x4BC0] =	vst v1  }
0x55: {  	[tilespmem:$0x4BD0] =	vst v1  }
0x56: {  	[tilespmem:$0x4BE0] =	vst v1  }
0x57: {  	[tilespmem:$0x4BF0] =	vst v1  }
0x58: {  	[tilespmem:$0x4C00] =	vst v1  }
0x59: {  	[tilespmem:$0x4C10] =	vst v1  }
0x5a: {  	[tilespmem:$0x4C20] =	vst v1  }
0x5b: {  	[tilespmem:$0x4C30] =	vst v1  }
0x5c: {  	[tilespmem:$0x4C40] =	vst v1  }
0x5d: {  	[tilespmem:$0x4C50] =	vst v1  }
0x5e: {  	[tilespmem:$0x4C60] =	vst v1  }
0x5f: {  	[tilespmem:$0x4C70] =	vst v1  }
0x60: {  	[tilespmem:$0x4C80] =	vst v1  }
0x61: {  	[tilespmem:$0x4C90] =	vst v1  }
0x62: {  	[tilespmem:$0x4CA0] =	vst v1  }
0x63: {  	[tilespmem:$0x4CB0] =	vst v1  }
0x64: {  	[tilespmem:$0x4CC0] =	vst v1  }
0x65: {  	[tilespmem:$0x4CD0] =	vst v1  }
0x66: {  	[tilespmem:$0x4CE0] =	vst v1  }
0x67: {  	[tilespmem:$0x4CF0] =	vst v1  }
0x68: {  	[tilespmem:$0x4D00] =	vst v1  }
0x69: {  	[tilespmem:$0x4D10] =	vst v1  }
0x6a: {  	[tilespmem:$0x4D20] =	vst v1  }
0x6b: {  	[tilespmem:$0x4D30] =	vst v1  }
0x6c: {  	[tilespmem:$0x4D40] =	vst v1  }
0x6d: {  	[tilespmem:$0x4D50] =	vst v1  }
0x6e: {  	[tilespmem:$0x4D60] =	vst v1  }
0x6f: {  	[tilespmem:$0x4D70] =	vst v1  }
0x70: {  	[tilespmem:$0x4D80] =	vst v1  }
0x71: {  	[tilespmem:$0x4D90] =	vst v1  }
0x72: {  	[tilespmem:$0x4DA0] =	vst v1  }
0x73: {  	[tilespmem:$0x4DB0] =	vst v1  }
0x74: {  	[tilespmem:$0x4DC0] =	vst v1  }
0x75: {  	[tilespmem:$0x4DD0] =	vst v1  }
0x76: {  	[tilespmem:$0x4DE0] =	vst v1  }
0x77: {  	[tilespmem:$0x4DF0] =	vst v1  }
0x78: {  	[tilespmem:$0x4E00] =	vst v1  }
0x79: {  	[tilespmem:$0x4E10] =	vst v1  }
0x7a: {  	[tilespmem:$0x4E20] =	vst v1  }
0x7b: {  	[tilespmem:$0x4E30] =	vst v1  }
0x7c: {  	[tilespmem:$0x4E40] =	vst v1  }
0x7d: {  	[tilespmem:$0x4E50] =	vst v1  }
0x7e: {  	[tilespmem:$0x4E60] =	vst v1  }
0x7f: {  	[tilespmem:$0x4E70] =	vst v1  }
0x80: {  	[tilespmem:$0x4E80] =	vst v1  }
0x81: {  	[tilespmem:$0x4E90] =	vst v1  }
0x82: {  	[tilespmem:$0x4EA0] =	vst v1  }
0x83: {  	[tilespmem:$0x4EB0] =	vst v1  }
0x84: {  	[tilespmem:$0x4EC0] =	vst v1  }
0x85: {  	[tilespmem:$0x4ED0] =	vst v1  }
0x86: {  	[tilespmem:$0x4EE0] =	vst v1  }
0x87: {  	[tilespmem:$0x4EF0] =	vst v1  }
0x88: {  	[tilespmem:$0x4F00] =	vst v1  }
0x89: {  	[tilespmem:$0x4F10] =	vst v1  }
0x8a: {  	[tilespmem:$0x4F20] =	vst v1  }
0x8b: {  	[tilespmem:$0x4F30] =	vst v1  }
0x8c: {  	[tilespmem:$0x4F40] =	vst v1  }
0x8d: {  	[tilespmem:$0x4F50] =	vst v1  }
0x8e: {  	[tilespmem:$0x4F60] =	vst v1  }
0x8f: {  	[tilespmem:$0x4F70] =	vst v1  }
0x90: {  	[tilespmem:$0x4F80] =	vst v1  }
0x91: {  	[tilespmem:$0x4F90] =	vst v1  }
0x92: {  	[tilespmem:$0x4FA0] =	vst v1  }
0x93: {  	[tilespmem:$0x4FB0] =	vst v1  }
0x94: {  	[tilespmem:$0x4FC0] =	vst v1  }
0x95: {  	[tilespmem:$0x4FD0] =	vst v1  }
0x96: {  	[tilespmem:$0x4FE0] =	vst v1  }
0x97: {  	[tilespmem:$0x4FF0] =	vst v1  }
0x98: {  	[tilespmem:$0x5000] =	vst v1  }
0x99: {  	[tilespmem:$0x5010] =	vst v1  }
0x9a: {  	[tilespmem:$0x5020] =	vst v1  }
0x9b: {  	[tilespmem:$0x5030] =	vst v1  }
0x9c: {  	[tilespmem:$0x5040] =	vst v1  }
0x9d: {  	[tilespmem:$0x5050] =	vst v1  }
0x9e: {  	[tilespmem:$0x5060] =	vst v1  }
0x9f: {  	[tilespmem:$0x5070] =	vst v1  }
0xa0: {  	[tilespmem:$0x5080] =	vst v1  }
0xa1: {  	[tilespmem:$0x5090] =	vst v1  }
0xa2: {  	[tilespmem:$0x50A0] =	vst v1  }
0xa3: {  	[tilespmem:$0x50B0] =	vst v1  }
0xa4: {  	[tilespmem:$0x50C0] =	vst v1  }
0xa5: {  	[tilespmem:$0x50D0] =	vst v1  }
0xa6: {  	[tilespmem:$0x50E0] =	vst v1  }
0xa7: {  	[tilespmem:$0x50F0] =	vst v1  }
0xa8: {  	[tilespmem:$0x5100] =	vst v1  }
0xa9: {  	[tilespmem:$0x5110] =	vst v1  }
0xaa: {  	[tilespmem:$0x5120] =	vst v1  }
0xab: {  	[tilespmem:$0x5130] =	vst v1  }
0xac: {  	[tilespmem:$0x5140] =	vst v1  }
0xad: {  	[tilespmem:$0x5150] =	vst v1  }
0xae: {  	[tilespmem:$0x5160] =	vst v1  }
0xaf: {  	[tilespmem:$0x5170] =	vst v1  }
0xb0: {  	[tilespmem:$0x5180] =	vst v1  }
0xb1: {  	[tilespmem:$0x5190] =	vst v1  }
0xb2: {  	[tilespmem:$0x51A0] =	vst v1  }
0xb3: {  	[tilespmem:$0x51B0] =	vst v1  }
0xb4: {  	[tilespmem:$0x51C0] =	vst v1  }
0xb5: {  	[tilespmem:$0x51D0] =	vst v1  }
0xb6: {  	[tilespmem:$0x51E0] =	vst v1  }
0xb7: {  	[tilespmem:$0x51F0] =	vst v1  }
0xb8: {  	[tilespmem:$0x5200] =	vst v1;
	v9 =	vld [tilespmem:$0x4400]  }
0xb9: {  	[tilespmem:$0x5210] =	vst v1  }
0xba: {  	[tilespmem:$0x5220] =	vst v1  }
0xbb: {  	[tilespmem:$0x5230] =	vst v1  }
0xbc: {  	[tilespmem:$0x5240] =	vst v1  }
0xbd: {  	[tilespmem:$0x5250] =	vst v1  }
0xbe: {  	[tilespmem:$0x5260] =	vst v1  }
0xbf: {  	[tilespmem:$0x5270] =	vst v1  }
0xc0: {  	v9 =	vld.idx.msk [tilespmem:v9+s3+$0x0], $0xffff;
	_ =	sdelay $0x4  }
0xc1: {  	v10 =	vld [tilespmem:$0x4000];
	v9 =	vadd.s32 v0, v9;
	_ =	sdelay $0x4  }
0xc2: {  	[tilespmem:v9+s11+$0x0] =	vst.idx.add.f32.msk $0xffff, v10  }
0xc3: {  	v9 =	vld [tilespmem:$0x4410];
	_ =	sdelay $0x7  }
0xc4: {  	v9 =	vld.idx.msk [tilespmem:v9+s3+$0x0], $0xffff;
	_ =	sdelay $0x4  }
0xc5: {  	v10 =	vld [tilespmem:$0x4010];
	v9 =	vadd.s32 v2, v9;
	_ =	sdelay $0x4  }
0xc6: {  	[tilespmem:v9+s11+$0x0] =	vst.idx.add.f32.msk $0xffff, v10  }
0xc7: {  	v9 =	vld [tilespmem:$0x4420];
	_ =	sdelay $0x7  }
0xc8: {  	v9 =	vld.idx.msk [tilespmem:v9+s3+$0x0], $0xffff;
	_ =	sdelay $0x4  }
0xc9: {  	v10 =	vld [tilespmem:$0x4020];
	v9 =	vadd.s32 v3, v9;
	_ =	sdelay $0x4  }
0xca: {  	[tilespmem:v9+s11+$0x0] =	vst.idx.add.f32.msk $0xffff, v10  }
0xcb: {  	v9 =	vld [tilespmem:$0x4430];
	_ =	sdelay $0x7  }
0xcc: {  	v9 =	vld.idx.msk [tilespmem:v9+s3+$0x0], $0xffff;
	_ =	sdelay $0x4  }
0xcd: {  	v10 =	vld [tilespmem:$0x4030];
	v9 =	vadd.s32 v4, v9;
	_ =	sdelay $0x4  }
0xce: {  	[tilespmem:v9+s11+$0x0] =	vst.idx.add.f32.msk $0xffff, v10  }
0xcf: {  	v9 =	vld [tilespmem:$0x4440];
	_ =	sdelay $0x7  }
0xd0: {  	v9 =	vld.idx.msk [tilespmem:v9+s3+$0x0], $0xffff;
	_ =	sdelay $0x4  }
0xd1: {  	v10 =	vld [tilespmem:$0x4040];
	v9 =	vadd.s32 v5, v9;
	_ =	sdelay $0x4  }
0xd2: {  	[tilespmem:v9+s11+$0x0] =	vst.idx.add.f32.msk $0xffff, v10  }
0xd3: {  	v9 =	vld [tilespmem:$0x4450];
	_ =	sdelay $0x7  }
0xd4: {  	v9 =	vld.idx.msk [tilespmem:v9+s3+$0x0], $0xffff;
	_ =	sdelay $0x4  }
0xd5: {  	v10 =	vld [tilespmem:$0x4050];
	v9 =	vadd.s32 v6, v9;
	_ =	sdelay $0x4  }
0xd6: {  	[tilespmem:v9+s11+$0x0] =	vst.idx.add.f32.msk $0xffff, v10  }
0xd7: {  	v9 =	vld [tilespmem:$0x4460];
	_ =	sdelay $0x7  }
0xd8: {  	v9 =	vld.idx.msk [tilespmem:v9+s3+$0x0], $0xffff;
	_ =	sdelay $0x4  }
0xd9: {  	v10 =	vld [tilespmem:$0x4060];
	v9 =	vadd.s32 v7, v9;
	_ =	sdelay $0x4  }
0xda: {  	[tilespmem:v9+s11+$0x0] =	vst.idx.add.f32.msk $0xffff, v10  }
0xdb: {  	v9 =	vld [tilespmem:$0x4470];
	_ =	sdelay $0x7  }
0xdc: {  	v9 =	vld.idx.msk [tilespmem:v9+s3+$0x0], $0xffff;
	_ =	sdelay $0x4  }
0xdd: {  	v10 =	vld [tilespmem:$0x4070];
	v9 =	vadd.s32 v8, v9;
	_ =	sdelay $0x4  }
0xde: {  	[tilespmem:v9+s11+$0x0] =	vst.idx.add.f32.msk $0xffff, v10  }
0xdf: {  	v9 =	vld [tilespmem:$0x4480];
	_ =	sdelay $0x7  }
0xe0: {  	v9 =	vld.idx.msk [tilespmem:v9+s3+$0x0], $0xffff;
	_ =	sdelay $0x4  }
0xe1: {  	v10 =	vld [tilespmem:$0x4080];
	v9 =	vadd.s32 v0, v9;
	_ =	sdelay $0x4  }
0xe2: {  	[tilespmem:v9+s11+$0x0] =	vst.idx.add.f32.msk $0xffff, v10  }
0xe3: {  	v9 =	vld [tilespmem:$0x4490];
	_ =	sdelay $0x7  }
0xe4: {  	v9 =	vld.idx.msk [tilespmem:v9+s3+$0x0], $0xffff;
	_ =	sdelay $0x4  }
0xe5: {  	v10 =	vld [tilespmem:$0x4090];
	v9 =	vadd.s32 v2, v9;
	_ =	sdelay $0x4  }
0xe6: {  	[tilespmem:v9+s11+$0x0] =	vst.idx.add.f32.msk $0xffff, v10  }
0xe7: {  	v9 =	vld [tilespmem:$0x44A0];
	_ =	sdelay $0x7  }
0xe8: {  	v9 =	vld.idx.msk [tilespmem:v9+s3+$0x0], $0xffff;
	_ =	sdelay $0x4  }
0xe9: {  	v10 =	vld [tilespmem:$0x40A0];
	v9 =	vadd.s32 v3, v9;
	_ =	sdelay $0x4  }
0xea: {  	[tilespmem:v9+s11+$0x0] =	vst.idx.add.f32.msk $0xffff, v10  }
0xeb: {  	v9 =	vld [tilespmem:$0x44B0];
	_ =	sdelay $0x7  }
0xec: {  	v9 =	vld.idx.msk [tilespmem:v9+s3+$0x0], $0xffff;
	_ =	sdelay $0x4  }
0xed: {  	v10 =	vld [tilespmem:$0x40B0];
	v9 =	vadd.s32 v4, v9;
	_ =	sdelay $0x4  }
0xee: {  	[tilespmem:v9+s11+$0x0] =	vst.idx.add.f32.msk $0xffff, v10  }
0xef: {  	v9 =	vld [tilespmem:$0x44C0];
	_ =	sdelay $0x7  }
0xf0: {  	v9 =	vld.idx.msk [tilespmem:v9+s3+$0x0], $0xffff;
	_ =	sdelay $0x4  }
0xf1: {  	v10 =	vld [tilespmem:$0x40C0];
	v9 =	vadd.s32 v5, v9;
	_ =	sdelay $0x4  }
0xf2: {  	[tilespmem:v9+s11+$0x0] =	vst.idx.add.f32.msk $0xffff, v10  }
0xf3: {  	v9 =	vld [tilespmem:$0x44D0];
	_ =	sdelay $0x7  }
0xf4: {  	v9 =	vld.idx.msk [tilespmem:v9+s3+$0x0], $0xffff;
	_ =	sdelay $0x4  }
0xf5: {  	v10 =	vld [tilespmem:$0x40D0];
	v9 =	vadd.s32 v6, v9;
	_ =	sdelay $0x4  }
0xf6: {  	[tilespmem:v9+s11+$0x0] =	vst.idx.add.f32.msk $0xffff, v10  }
0xf7: {  	v9 =	vld [tilespmem:$0x44E0];
	_ =	sdelay $0x7  }
0xf8: {  	v9 =	vld.idx.msk [tilespmem:v9+s3+$0x0], $0xffff;
	_ =	sdelay $0x4  }
0xf9: {  	v10 =	vld [tilespmem:$0x40E0];
	v9 =	vadd.s32 v7, v9;
	_ =	sdelay $0x4  }
0xfa: {  	[tilespmem:v9+s11+$0x0] =	vst.idx.add.f32.msk $0xffff, v10  }
0xfb: {  	v9 =	vld [tilespmem:$0x44F0];
	_ =	sdelay $0x7  }
0xfc: {  	v9 =	vld.idx.msk [tilespmem:v9+s3+$0x0], $0xffff;
	_ =	sdelay $0x4  }
0xfd: {  	v10 =	vld [tilespmem:$0x40F0];
	v9 =	vadd.s32 v8, v9;
	_ =	sdelay $0x4  }
0xfe: {  	[tilespmem:v9+s11+$0x0] =	vst.idx.add.f32.msk $0xffff, v10  }
0xff: {  	v9 =	vld [tilespmem:$0x4500];
	_ =	sdelay $0x7  }
0x100: {  	v9 =	vld.idx.msk [tilespmem:v9+s3+$0x0], $0xffff;
	_ =	sdelay $0x4  }
0x101: {  	v10 =	vld [tilespmem:$0x4100];
	v9 =	vadd.s32 v0, v9;
	_ =	sdelay $0x4  }
0x102: {  	[tilespmem:v9+s11+$0x0] =	vst.idx.add.f32.msk $0xffff, v10  }
0x103: {  	v9 =	vld [tilespmem:$0x4510];
	_ =	sdelay $0x7  }
0x104: {  	v9 =	vld.idx.msk [tilespmem:v9+s3+$0x0], $0xffff;
	_ =	sdelay $0x4  }
0x105: {  	v10 =	vld [tilespmem:$0x4110];
	v9 =	vadd.s32 v2, v9;
	_ =	sdelay $0x4  }
0x106: {  	[tilespmem:v9+s11+$0x0] =	vst.idx.add.f32.msk $0xffff, v10  }
0x107: {  	v9 =	vld [tilespmem:$0x4520];
	_ =	sdelay $0x7  }
0x108: {  	v9 =	vld.idx.msk [tilespmem:v9+s3+$0x0], $0xffff;
	_ =	sdelay $0x4  }
0x109: {  	v10 =	vld [tilespmem:$0x4120];
	v9 =	vadd.s32 v3, v9;
	_ =	sdelay $0x4  }
0x10a: {  	[tilespmem:v9+s11+$0x0] =	vst.idx.add.f32.msk $0xffff, v10  }
0x10b: {  	v9 =	vld [tilespmem:$0x4530];
	_ =	sdelay $0x7  }
0x10c: {  	v9 =	vld.idx.msk [tilespmem:v9+s3+$0x0], $0xffff;
	_ =	sdelay $0x4  }
0x10d: {  	v10 =	vld [tilespmem:$0x4130];
	v9 =	vadd.s32 v4, v9;
	_ =	sdelay $0x4  }
0x10e: {  	[tilespmem:v9+s11+$0x0] =	vst.idx.add.f32.msk $0xffff, v10  }
0x10f: {  	v9 =	vld [tilespmem:$0x4540];
	_ =	sdelay $0x7  }
0x110: {  	v9 =	vld.idx.msk [tilespmem:v9+s3+$0x0], $0xffff;
	_ =	sdelay $0x4  }
0x111: {  	v10 =	vld [tilespmem:$0x4140];
	v9 =	vadd.s32 v5, v9;
	_ =	sdelay $0x4  }
0x112: {  	[tilespmem:v9+s11+$0x0] =	vst.idx.add.f32.msk $0xffff, v10  }
0x113: {  	v9 =	vld [tilespmem:$0x4550];
	_ =	sdelay $0x7  }
0x114: {  	v9 =	vld.idx.msk [tilespmem:v9+s3+$0x0], $0xffff;
	_ =	sdelay $0x4  }
0x115: {  	v10 =	vld [tilespmem:$0x4150];
	v9 =	vadd.s32 v6, v9;
	_ =	sdelay $0x4  }
0x116: {  	[tilespmem:v9+s11+$0x0] =	vst.idx.add.f32.msk $0xffff, v10  }
0x117: {  	v9 =	vld [tilespmem:$0x4560];
	_ =	sdelay $0x7  }
0x118: {  	v9 =	vld.idx.msk [tilespmem:v9+s3+$0x0], $0xffff;
	_ =	sdelay $0x4  }
0x119: {  	v10 =	vld [tilespmem:$0x4160];
	v9 =	vadd.s32 v7, v9;
	_ =	sdelay $0x4  }
0x11a: {  	[tilespmem:v9+s11+$0x0] =	vst.idx.add.f32.msk $0xffff, v10  }
0x11b: {  	v9 =	vld [tilespmem:$0x4570];
	_ =	sdelay $0x7  }
0x11c: {  	v9 =	vld.idx.msk [tilespmem:v9+s3+$0x0], $0xffff;
	_ =	sdelay $0x4  }
0x11d: {  	v10 =	vld [tilespmem:$0x4170];
	v9 =	vadd.s32 v8, v9;
	_ =	sdelay $0x4  }
0x11e: {  	[tilespmem:v9+s11+$0x0] =	vst.idx.add.f32.msk $0xffff, v10  }
0x11f: {  	v9 =	vld [tilespmem:$0x4580];
	_ =	sdelay $0x7  }
0x120: {  	v9 =	vld.idx.msk [tilespmem:v9+s3+$0x0], $0xffff;
	_ =	sdelay $0x4  }
0x121: {  	v10 =	vld [tilespmem:$0x4180];
	v9 =	vadd.s32 v0, v9;
	_ =	sdelay $0x4  }
0x122: {  	[tilespmem:v9+s11+$0x0] =	vst.idx.add.f32.msk $0xffff, v10  }
0x123: {  	v9 =	vld [tilespmem:$0x4590];
	_ =	sdelay $0x7  }
0x124: {  	v9 =	vld.idx.msk [tilespmem:v9+s3+$0x0], $0xffff;
	_ =	sdelay $0x4  }
0x125: {  	v10 =	vld [tilespmem:$0x4190];
	v9 =	vadd.s32 v2, v9;
	_ =	sdelay $0x4  }
0x126: {  	[tilespmem:v9+s11+$0x0] =	vst.idx.add.f32.msk $0xffff, v10  }
0x127: {  	v9 =	vld [tilespmem:$0x45A0];
	_ =	sdelay $0x7  }
0x128: {  	v9 =	vld.idx.msk [tilespmem:v9+s3+$0x0], $0xffff;
	_ =	sdelay $0x4  }
0x129: {  	v10 =	vld [tilespmem:$0x41A0];
	v9 =	vadd.s32 v3, v9;
	_ =	sdelay $0x4  }
0x12a: {  	[tilespmem:v9+s11+$0x0] =	vst.idx.add.f32.msk $0xffff, v10  }
0x12b: {  	v9 =	vld [tilespmem:$0x45B0];
	_ =	sdelay $0x7  }
0x12c: {  	v9 =	vld.idx.msk [tilespmem:v9+s3+$0x0], $0xffff;
	_ =	sdelay $0x4  }
0x12d: {  	v10 =	vld [tilespmem:$0x41B0];
	v9 =	vadd.s32 v4, v9;
	_ =	sdelay $0x4  }
0x12e: {  	[tilespmem:v9+s11+$0x0] =	vst.idx.add.f32.msk $0xffff, v10  }
0x12f: {  	v9 =	vld [tilespmem:$0x45C0];
	_ =	sdelay $0x7  }
0x130: {  	v9 =	vld.idx.msk [tilespmem:v9+s3+$0x0], $0xffff;
	_ =	sdelay $0x4  }
0x131: {  	v10 =	vld [tilespmem:$0x41C0];
	v9 =	vadd.s32 v5, v9;
	_ =	sdelay $0x4  }
0x132: {  	[tilespmem:v9+s11+$0x0] =	vst.idx.add.f32.msk $0xffff, v10  }
0x133: {  	v9 =	vld [tilespmem:$0x45D0];
	_ =	sdelay $0x7  }
0x134: {  	v9 =	vld.idx.msk [tilespmem:v9+s3+$0x0], $0xffff;
	_ =	sdelay $0x4  }
0x135: {  	v10 =	vld [tilespmem:$0x41D0];
	v9 =	vadd.s32 v6, v9;
	_ =	sdelay $0x4  }
0x136: {  	[tilespmem:v9+s11+$0x0] =	vst.idx.add.f32.msk $0xffff, v10  }
0x137: {  	v9 =	vld [tilespmem:$0x45E0];
	_ =	sdelay $0x7  }
0x138: {  	v9 =	vld.idx.msk [tilespmem:v9+s3+$0x0], $0xffff;
	_ =	sdelay $0x4  }
0x139: {  	v10 =	vld [tilespmem:$0x41E0];
	v9 =	vadd.s32 v7, v9;
	_ =	sdelay $0x4  }
0x13a: {  	[tilespmem:v9+s11+$0x0] =	vst.idx.add.f32.msk $0xffff, v10  }
0x13b: {  	v9 =	vld [tilespmem:$0x45F0];
	_ =	sdelay $0x7  }
0x13c: {  	v9 =	vld.idx.msk [tilespmem:v9+s3+$0x0], $0xffff;
	_ =	sdelay $0x4  }
0x13d: {  	v10 =	vld [tilespmem:$0x41F0];
	v9 =	vadd.s32 v8, v9;
	_ =	sdelay $0x4  }
0x13e: {  	[tilespmem:v9+s11+$0x0] =	vst.idx.add.f32.msk $0xffff, v10  }
0x13f: {  	v9 =	vld [tilespmem:$0x4600];
	_ =	sdelay $0x7  }
0x140: {  	v9 =	vld.idx.msk [tilespmem:v9+s3+$0x0], $0xffff;
	_ =	sdelay $0x4  }
0x141: {  	v10 =	vld [tilespmem:$0x4200];
	v9 =	vadd.s32 v0, v9;
	_ =	sdelay $0x4  }
0x142: {  	[tilespmem:v9+s11+$0x0] =	vst.idx.add.f32.msk $0xffff, v10  }
0x143: {  	v9 =	vld [tilespmem:$0x4610];
	_ =	sdelay $0x7  }
0x144: {  	v9 =	vld.idx.msk [tilespmem:v9+s3+$0x0], $0xffff;
	_ =	sdelay $0x4  }
0x145: {  	v10 =	vld [tilespmem:$0x4210];
	v9 =	vadd.s32 v2, v9;
	_ =	sdelay $0x4  }
0x146: {  	[tilespmem:v9+s11+$0x0] =	vst.idx.add.f32.msk $0xffff, v10  }
0x147: {  	v9 =	vld [tilespmem:$0x4620];
	_ =	sdelay $0x7  }
0x148: {  	v9 =	vld.idx.msk [tilespmem:v9+s3+$0x0], $0xffff;
	_ =	sdelay $0x4  }
0x149: {  	v10 =	vld [tilespmem:$0x4220];
	v9 =	vadd.s32 v3, v9;
	_ =	sdelay $0x4  }
0x14a: {  	[tilespmem:v9+s11+$0x0] =	vst.idx.add.f32.msk $0xffff, v10  }
0x14b: {  	v9 =	vld [tilespmem:$0x4630];
	_ =	sdelay $0x7  }
0x14c: {  	v9 =	vld.idx.msk [tilespmem:v9+s3+$0x0], $0xffff;
	_ =	sdelay $0x4  }
0x14d: {  	v10 =	vld [tilespmem:$0x4230];
	v9 =	vadd.s32 v4, v9;
	_ =	sdelay $0x4  }
0x14e: {  	[tilespmem:v9+s11+$0x0] =	vst.idx.add.f32.msk $0xffff, v10  }
0x14f: {  	v9 =	vld [tilespmem:$0x4640];
	_ =	sdelay $0x7  }
0x150: {  	v9 =	vld.idx.msk [tilespmem:v9+s3+$0x0], $0xffff;
	_ =	sdelay $0x4  }
0x151: {  	v10 =	vld [tilespmem:$0x4240];
	v9 =	vadd.s32 v5, v9;
	_ =	sdelay $0x4  }
0x152: {  	[tilespmem:v9+s11+$0x0] =	vst.idx.add.f32.msk $0xffff, v10  }
0x153: {  	v9 =	vld [tilespmem:$0x4650];
	_ =	sdelay $0x7  }
0x154: {  	v9 =	vld.idx.msk [tilespmem:v9+s3+$0x0], $0xffff;
	_ =	sdelay $0x4  }
0x155: {  	v10 =	vld [tilespmem:$0x4250];
	v9 =	vadd.s32 v6, v9;
	_ =	sdelay $0x4  }
0x156: {  	[tilespmem:v9+s11+$0x0] =	vst.idx.add.f32.msk $0xffff, v10  }
0x157: {  	v9 =	vld [tilespmem:$0x4660];
	_ =	sdelay $0x7  }
0x158: {  	v9 =	vld.idx.msk [tilespmem:v9+s3+$0x0], $0xffff;
	_ =	sdelay $0x4  }
0x159: {  	v10 =	vld [tilespmem:$0x4260];
	v9 =	vadd.s32 v7, v9;
	_ =	sdelay $0x4  }
0x15a: {  	[tilespmem:v9+s11+$0x0] =	vst.idx.add.f32.msk $0xffff, v10  }
0x15b: {  	v9 =	vld [tilespmem:$0x4670];
	_ =	sdelay $0x7  }
0x15c: {  	v9 =	vld.idx.msk [tilespmem:v9+s3+$0x0], $0xffff;
	_ =	sdelay $0x4  }
0x15d: {  	v10 =	vld [tilespmem:$0x4270];
	v9 =	vadd.s32 v8, v9;
	_ =	sdelay $0x3  }
0x15e: {  	p0 =	sne.s32 s7, $0x1  }
.Ltmp0:
0x15f: {  	[tilespmem:v9+s11+$0x0] =	vst.idx.add.f32.msk $0xffff, v10;
	(pc) =	sbr.rel @p0 .LBB2_1-.Ltmp0, $4  }
0x160: {  	[hbm4b:s6+s3] =	stream.linear.scatter [tilespmem:s11], [sflag:$0x1], $0xA80, $0x38;
	[tilespmem:$0x5280] =	vst v63  }
0x161: {  	_ =	swait.ge [sflag:s8], $0xA80  }
0x162: {  	[sflag:s8] =	ssyncset.done $0x0  }
0x163: {  	s7 =	sadd.s32 $0xFFFFFFFF, s7;
	[sflag:s8] =	ssyncadd.s32 $0xFFFFF580  }
0x164: {  	_ =	sfence.sel $0x180000  }
0x165: {  	[bflag:$0x0] =	sbarrier.arrive $0xFFFF  }
0x166: {  	p0 =	sne.s32 s1, $0x0;
	_ =	strace $0x90000047  }
0x167: {  	s0 =	sadd.s32 @!p0 $0x100000, s0;
	[bflag:$0x2] =	sbarrier.arrive $0xFFFF  }
0x168: {  	[sflag:s0] =	ssyncadd.tile.s32 @!p0 $0x1;
	_ =	shalt  }
.Lfunc_end2:
_tile_overlayer_lowered:
.L_overlay_start_2:
0x169: {  	(tag) =	ssettag $0x2  }
0x16a: {  	s0 =	rddreg [dreg:$0x0];
	s2 =	stileid.u32  }
0x16b: {  	s1 =	rddreg [dreg:$0x1];
	p0 =	sne.s32 s2, $0x0  }
0x16c: {  	s3 =	rddreg [dreg:$0x2];
	[bflag:$0x3] =	sbarrier.arrive $0xFFFF;
	s2 =	simm.s32 @!p0 $0x1C01  }
0x16d: {  	[timem:s3], [sflag:s2] =	dma.local @!p0 [hbm:s0], s1  }
0x16e: {  	s0 =	simm.s32 @!p0 $0x1  }
0x16f: {  	_ =	swait.ge @!p0 [sflag:s0], s1  }
0x170: {  	s1 =	ssub.s32 @!p0 $0x0, s1;
	[sflag:s0] =	ssyncset.done @!p0 $0x0  }
0x171: {  	[sflag:s0] =	ssyncadd.s32 @!p0 s1  }
0x172: {  	[bflag:$0x3] =	sbarrier.arrive $0xFFFF  }
0x173: {  	_ =	shalt  }

</sc_bundles>
